<compile_context>
chip_gen: v7x
topology: tpu7x:2x2x1
jax: 0.10.2.dev20260603
libtpu: 0.0.44.dev20260713+nightly
codegen_flags: <defaults>
</compile_context>

<pallas_src>
import functools
import jax
import jax.numpy as jnp
from jax import lax
from jax.experimental import pallas as pl
from jax.experimental.pallas import tpu as pltpu
from jax.experimental.pallas import tpu_sc as plsc

B = 32
N_SNPS = 50000
N_GENES = 10000
N_NODES = 160000
CH = 8000
N_CHUNKS = N_NODES // CH
VECS = CH // 16


def _scale_body(snp_ref, f_ref, t_ref):
    fbar = jnp.mean(f_ref[...], axis=0, keepdims=True)
    t_ref[...] = snp_ref[...] * fbar


def _scaled_table(snp, filters):
    return pl.pallas_call(
        _scale_body,
        out_shape=jax.ShapeDtypeStruct((B, N_SNPS), jnp.float32),
    )(snp, filters)


def _perm(v, idx):
    dnums = lax.GatherDimensionNumbers(
        offset_dims=(), collapsed_slice_dims=(0,), start_index_map=(0,))
    return lax.gather(v, idx[:, None], dnums, (1,),
                      mode=lax.GatherScatterMode.PROMISE_IN_BOUNDS)


def _sc_segment_sum(t_tab, snp_ids, node_graph_ids):
    mesh = plsc.VectorSubcoreMesh(core_axis_name="c", subcore_axis_name="s")

    @functools.partial(
        pl.kernel,
        mesh=mesh,
        out_type=jax.ShapeDtypeStruct((B, N_GENES), jnp.float32),
        compiler_params=pltpu.CompilerParams(needs_layout_passes=False),
        scratch_types=[
            pltpu.VMEM((N_SNPS,), jnp.float32),
            pltpu.VMEM((N_GENES,), jnp.float32),
            pltpu.VMEM((CH,), jnp.int32),
            pltpu.VMEM((CH,), jnp.int32),
            pltpu.VMEM((CH + 32,), jnp.int32),
            pltpu.VMEM((CH + 32,), jnp.int32),
            pltpu.SemaphoreType.DMA,
            pltpu.SemaphoreType.DMA,
            pltpu.SemaphoreType.DMA,
            pltpu.SemaphoreType.DMA,
        ],
    )
    def sc_kernel(t_hbm, sid_hbm, gid_hbm, out_hbm, t_v, acc_v,
                  sid0, sid1, gid0, gid1, ss0, ss1, gs0, gs1):
        b = lax.axis_index("s") * 2 + lax.axis_index("c")
        sid_bufs = (sid0, sid1)
        gid_bufs = (gid0, gid1)
        ssem = (ss0, ss1)
        gsem = (gs0, gs1)

        def start(c, p):
            off = pl.multiple_of(c * CH, 8)
            pltpu.make_async_copy(
                sid_hbm.at[pl.ds(off, CH)], sid_bufs[p], ssem[p]).start()
            pltpu.make_async_copy(
                gid_hbm.at[pl.ds(off, CH)],
                gid_bufs[p].at[pl.ds(16, CH)], gsem[p]).start()

        def wait(p):
            pltpu.make_async_copy(
                sid_hbm.at[pl.ds(0, CH)], sid_bufs[p], ssem[p]).wait()
            pltpu.make_async_copy(
                gid_hbm.at[pl.ds(0, CH)],
                gid_bufs[p].at[pl.ds(16, CH)], gsem[p]).wait()

        start(0, 0)
        start(1, 1)
        pltpu.sync_copy(t_hbm.at[b], t_v)

        def zero(i, carry):
            acc_v[pl.ds(i * 16, 16)] = jnp.zeros((16,), jnp.float32)
            return carry
        lax.fori_loop(0, N_GENES // 16, zero, 0)

        iota = lax.iota(jnp.int32, 16)
        last = iota == 15

        def pair(c2, carry):
            for p in (0, 1):
                c = c2 * 2 + p
                wait(p)
                sid_v = sid_bufs[p]
                gid_v = gid_bufs[p]

                @plsc.parallel_loop(0, VECS, unroll=8)
                def vec(j):
                    base = 16 + j * 16
                    idx = sid_v[pl.ds(j * 16, 16)]
                    g = gid_v[pl.ds(base, 16)]
                    v = plsc.load_gather(t_v, [idx])
                    gp = _perm(g, jnp.maximum(iota - 1, 0))
                    gn = _perm(g, jnp.minimum(iota + 1, 15))
                    start = plsc.cummax(jnp.where(g != gp, iota, jnp.zeros((16,), jnp.int32)))
                    cs = plsc.cumsum(v)
                    sub = _perm(cs, jnp.maximum(start - 1, 0))
                    tot = cs - jnp.where(start > 0, sub, jnp.zeros((16,), jnp.float32))
                    end = (g != gn) | last
                    plsc.addupdate_scatter(acc_v, [g], tot, mask=end)

                @pl.when(c + 2 < N_CHUNKS)
                def _():
                    start(c + 2, p)
            return carry
        lax.fori_loop(0, N_CHUNKS // 2, pair, 0)

        pltpu.sync_copy(acc_v, out_hbm.at[b])

    return sc_kernel(t_tab, snp_ids, node_graph_ids)


def _mlp_body(sh_ref, w1_ref, b1_ref, g1_ref, bt1_ref,
              w2_ref, b2_ref, g2_ref, bt2_ref, w3_ref, b3_ref,
              out_ref, h1_scr):
    i = pl.program_id(0)
    z = jnp.dot(sh_ref[...], w1_ref[...], preferred_element_type=jnp.float32)
    z = z + b1_ref[...][None, :]
    m = jnp.mean(z, axis=0, keepdims=True)
    var = jnp.mean((z - m) * (z - m), axis=0, keepdims=True)
    h = g1_ref[...][None, :] * (z - m) / jnp.sqrt(var + 1e-5) + bt1_ref[...][None, :]
    h1_scr[:, pl.ds(i * 256, 256)] = jnp.maximum(h, 0.0)

    @pl.when(i == 3)
    def _():
        h1 = h1_scr[...]
        z2 = jnp.dot(h1, w2_ref[...], preferred_element_type=jnp.float32)
        z2 = z2 + b2_ref[...][None, :]
        m2 = jnp.mean(z2, axis=0, keepdims=True)
        v2 = jnp.mean((z2 - m2) * (z2 - m2), axis=0, keepdims=True)
        h2 = g2_ref[...][None, :] * (z2 - m2) / jnp.sqrt(v2 + 1e-5) + bt2_ref[...][None, :]
        h2 = jnp.maximum(h2, 0.0)
        out_ref[...] = jnp.dot(h2, w3_ref[...], preferred_element_type=jnp.float32) + b3_ref[...][None, :]


def _mlp(sample_h, W1, b1, gamma1, beta1, W2, b2, gamma2, beta2, W3, b3):
    return pl.pallas_call(
        _mlp_body,
        grid=(4,),
        in_specs=[
            pl.BlockSpec((B, N_GENES), lambda i: (0, 0)),
            pl.BlockSpec((N_GENES, 256), lambda i: (0, i)),
            pl.BlockSpec((256,), lambda i: (i,)),
            pl.BlockSpec((256,), lambda i: (i,)),
            pl.BlockSpec((256,), lambda i: (i,)),
            pl.BlockSpec((1024, 256), lambda i: (0, 0)),
            pl.BlockSpec((256,), lambda i: (0,)),
            pl.BlockSpec((256,), lambda i: (0,)),
            pl.BlockSpec((256,), lambda i: (0,)),
            pl.BlockSpec((256, 1), lambda i: (0, 0)),
            pl.BlockSpec((1,), lambda i: (0,)),
        ],
        out_specs=pl.BlockSpec((B, 1), lambda i: (0, 0)),
        out_shape=jax.ShapeDtypeStruct((B, 1), jnp.float32),
        scratch_shapes=[pltpu.VMEM((B, 1024), jnp.float32)],
    )(sample_h, W1, b1, gamma1, beta1, W2, b2, gamma2, beta2, W3, b3)


def kernel(snp, snp_ids, node_graph_ids, filters,
           W1, b1, gamma1, beta1, W2, b2, gamma2, beta2, W3, b3):
    t_tab = _scaled_table(snp, filters)
    sample_h = _sc_segment_sum(t_tab, snp_ids, node_graph_ids)
    preds = _mlp(sample_h, W1, b1, gamma1, beta1, W2, b2, gamma2, beta2, W3, b3)
    return (preds, filters)

# --- scband reference (transcript-rebuilt; emitter-appended) ---
"""Pipeline reference for scband-ugp-v1-18081812316996 (READ-ONLY COPY).

The authoritative reference and input builder live on the scoring server;
editing this copy changes nothing except your own understanding.
"""

import jax, jax.numpy as jnp
import numpy as np

B, N_SNPS, N_GENES, N_NODES, N_FILTERS = 32, 50000, 10000, 160000, 8


def setup_inputs(seed: int = 0) -> dict:
    key = jax.random.key(seed)
    ks = jax.random.split(key, 12)
    snp = jax.random.uniform(ks[0], (B, N_SNPS), dtype=jnp.float32)
    snp_ids = jax.random.randint(ks[1], (N_NODES,), 0, N_SNPS, dtype=jnp.int32)
    node_graph_ids = jnp.sort(jax.random.randint(ks[2], (N_NODES,), 0, N_GENES, dtype=jnp.int32))
    filters = jax.random.normal(ks[3], (N_FILTERS, N_SNPS), dtype=jnp.float32) * 0.001
    W1 = jax.random.normal(ks[4], (N_GENES, 1024), dtype=jnp.float32) * 0.02
    b1 = jnp.zeros((1024,), dtype=jnp.float32)
    gamma1 = 1.0 + jax.random.normal(ks[5], (1024,), dtype=jnp.float32) * 0.02
    beta1 = jnp.zeros((1024,), dtype=jnp.float32)
    W2 = jax.random.normal(ks[6], (1024, 256), dtype=jnp.float32) * 0.02
    b2 = jnp.zeros((256,), dtype=jnp.float32)
    gamma2 = 1.0 + jax.random.normal(ks[7], (256,), dtype=jnp.float32) * 0.02
    beta2 = jnp.zeros((256,), dtype=jnp.float32)
    W3 = jax.random.normal(ks[8], (256, 1), dtype=jnp.float32) * 0.02
    b3 = jnp.zeros((1,), dtype=jnp.float32)
    return {"snp": snp, "snp_ids": snp_ids, "node_graph_ids": node_graph_ids,
            "filters": filters, "W1": W1, "b1": b1, "gamma1": gamma1, "beta1": beta1,
            "W2": W2, "b2": b2, "gamma2": gamma2, "beta2": beta2, "W3": W3, "b3": b3}


def _batchnorm(x, gamma, beta, eps=1e-5):
    m = jnp.mean(x, axis=0, keepdims=True)
    v = jnp.var(x, axis=0, keepdims=True)
    return gamma * (x - m) / jnp.sqrt(v + eps) + beta


def reference(snp, snp_ids, node_graph_ids, filters, W1, b1, gamma1, beta1, W2, b2, gamma2, beta2, W3, b3):
    # snp: [B, n_snps]; einsum('bnd,n->bnd') per filter then concat along d
    # == snp[:, :, None] * filters.T broadcast -> [B, n_snps, n_filters]
    snp_h = snp[:, :, None] * jnp.transpose(filters)[None, :, :]
    # per-node gather: torch.index_select(snp_h[i], 0, snp_ids) vectorized over batch
    gathered = jnp.take(snp_h, snp_ids, axis=1)  # [B, n_nodes, n_filters]
    # dgl.readout_nodes(g, 'h', op='sum') over the batched graph == segment_sum by graph id
    seg = jax.vmap(lambda h: jax.ops.segment_sum(h, node_graph_ids, num_segments=N_GENES))(gathered)  # [B, n_genes, n_filters]
    sample_h = jnp.mean(seg, axis=-1)  # [B, n_genes]
    # predictor MLP (dropouts are identity; BatchNorm1d uses batch statistics)
    h = sample_h @ W1 + b1
    h = jax.nn.relu(_batchnorm(h, gamma1, beta1))
    h = h @ W2 + b2
    h = jax.nn.relu(_batchnorm(h, gamma2, beta2))
    preds = h @ W3 + b3
    return (preds, filters)

if __name__ == "__main__":
    import jax
    _d = setup_inputs()
    print(jax.jit(kernel)(*tuple(_d.values())))

</pallas_src>

<mosaic_0001>
#map = affine_map<(d0, d1) -> (0, 0)>
#map1 = affine_map<(d0, d1) -> (0)>
module attributes {stable_mosaic.version = 14 : i64} {
  func.func @sc_kernel(%arg0: i32, %arg1: i32, %arg2: memref<32x50000xf32, #tpu.memory_space<hbm>>, %arg3: memref<160000xi32, #tpu.memory_space<hbm>>, %arg4: memref<160000xi32, #tpu.memory_space<hbm>>, %arg5: memref<32x10000xf32, #tpu.memory_space<hbm>>, %arg6: memref<50000xf32, #tpu.memory_space<vmem>>, %arg7: memref<10000xf32, #tpu.memory_space<vmem>>, %arg8: memref<8000xi32, #tpu.memory_space<vmem>>, %arg9: memref<8000xi32, #tpu.memory_space<vmem>>, %arg10: memref<8032xi32, #tpu.memory_space<vmem>>, %arg11: memref<8032xi32, #tpu.memory_space<vmem>>, %arg12: memref<!tpu.dma_semaphore, #tpu.memory_space<semaphore_mem>>, %arg13: memref<!tpu.dma_semaphore, #tpu.memory_space<semaphore_mem>>, %arg14: memref<!tpu.dma_semaphore, #tpu.memory_space<semaphore_mem>>, %arg15: memref<!tpu.dma_semaphore, #tpu.memory_space<semaphore_mem>>) attributes {dimension_semantics = [#tpu.dimension_semantics<core_parallel>, #tpu.dimension_semantics<subcore_parallel>], iteration_bounds = array<i64: 2, 16>, scalar_prefetch = 0 : i64, scratch_operands = 10 : i64, tpu.core_type = #tpu.core_type<sc_vector_subcore>, window_params = [{transform_indices = #map}, {transform_indices = #map1}, {transform_indices = #map1}, {transform_indices = #map}]} {
    %mul3A = arith.constant 2 : i32
    %mul3A_0 = arith.muli %arg1, %mul3A : i32
    %add3A = arith.addi %mul3A_0, %arg0 : i32
    %multiple_of3A = arith.constant 0 : i32
    %multiple_of3A_1 = tpu.assume_multiple %multiple_of3A, 8 : i32
    %dma_start3A = tpu.memref_slice %arg3[%multiple_of3A_1] : memref<160000xi32, #tpu.memory_space<hbm>> -> memref<8000xi32, #tpu.memory_space<hbm>>
    %dma_start3A_2 = tpu.memref_slice %arg3[%multiple_of3A_1] : memref<160000xi32, #tpu.memory_space<hbm>> -> memref<8000xi32, #tpu.memory_space<hbm>>
    tpu.enqueue_dma source(%dma_start3A_2 : memref<8000xi32, #tpu.memory_space<hbm>>) target(%arg8 : memref<8000xi32, #tpu.memory_space<vmem>>) target_semaphore(%arg12 : memref<!tpu.dma_semaphore, #tpu.memory_space<semaphore_mem>>)
    %dma_start3A_3 = arith.constant 16 : i32
    %dma_start3A_4 = tpu.memref_slice %arg10[%dma_start3A_3] : memref<8032xi32, #tpu.memory_space<vmem>> -> memref<8000xi32, #tpu.memory_space<vmem>>
    %dma_start3A_5 = tpu.memref_slice %arg4[%multiple_of3A_1] : memref<160000xi32, #tpu.memory_space<hbm>> -> memref<8000xi32, #tpu.memory_space<hbm>>
    %dma_start3A_6 = arith.constant 16 : i32
    %dma_start3A_7 = tpu.memref_slice %arg10[%dma_start3A_6] : memref<8032xi32, #tpu.memory_space<vmem>> -> memref<8000xi32, #tpu.memory_space<vmem>>
    %dma_start3A_8 = tpu.memref_slice %arg4[%multiple_of3A_1] : memref<160000xi32, #tpu.memory_space<hbm>> -> memref<8000xi32, #tpu.memory_space<hbm>>
    tpu.enqueue_dma source(%dma_start3A_8 : memref<8000xi32, #tpu.memory_space<hbm>>) target(%dma_start3A_7 : memref<8000xi32, #tpu.memory_space<vmem>>) target_semaphore(%arg14 : memref<!tpu.dma_semaphore, #tpu.memory_space<semaphore_mem>>)
    %multiple_of3A_9 = arith.constant 8000 : i32
    %multiple_of3A_10 = tpu.assume_multiple %multiple_of3A_9, 8 : i32
    %dma_start3A_11 = tpu.memref_slice %arg3[%multiple_of3A_10] : memref<160000xi32, #tpu.memory_space<hbm>> -> memref<8000xi32, #tpu.memory_space<hbm>>
    %dma_start3A_12 = tpu.memref_slice %arg3[%multiple_of3A_10] : memref<160000xi32, #tpu.memory_space<hbm>> -> memref<8000xi32, #tpu.memory_space<hbm>>
    tpu.enqueue_dma source(%dma_start3A_12 : memref<8000xi32, #tpu.memory_space<hbm>>) target(%arg9 : memref<8000xi32, #tpu.memory_space<vmem>>) target_semaphore(%arg13 : memref<!tpu.dma_semaphore, #tpu.memory_space<semaphore_mem>>)
    %dma_start3A_13 = arith.constant 16 : i32
    %dma_start3A_14 = tpu.memref_slice %arg11[%dma_start3A_13] : memref<8032xi32, #tpu.memory_space<vmem>> -> memref<8000xi32, #tpu.memory_space<vmem>>
    %dma_start3A_15 = tpu.memref_slice %arg4[%multiple_of3A_10] : memref<160000xi32, #tpu.memory_space<hbm>> -> memref<8000xi32, #tpu.memory_space<hbm>>
    %dma_start3A_16 = arith.constant 16 : i32
    %dma_start3A_17 = tpu.memref_slice %arg11[%dma_start3A_16] : memref<8032xi32, #tpu.memory_space<vmem>> -> memref<8000xi32, #tpu.memory_space<vmem>>
    %dma_start3A_18 = tpu.memref_slice %arg4[%multiple_of3A_10] : memref<160000xi32, #tpu.memory_space<hbm>> -> memref<8000xi32, #tpu.memory_space<hbm>>
    tpu.enqueue_dma source(%dma_start3A_18 : memref<8000xi32, #tpu.memory_space<hbm>>) target(%dma_start3A_17 : memref<8000xi32, #tpu.memory_space<vmem>>) target_semaphore(%arg15 : memref<!tpu.dma_semaphore, #tpu.memory_space<semaphore_mem>>)
    "tpu.region"() ({
      %run_scoped3A = tpu.sem_alloc : memref<!tpu.dma_semaphore, #tpu.memory_space<semaphore_mem>>
      %dma_start3A_32 = arith.constant 0 : i32
      %dma_start3A_33 = tpu.memref_slice %arg2[%add3A, %dma_start3A_32] : memref<32x50000xf32, #tpu.memory_space<hbm>> -> memref<1x50000xf32, #tpu.memory_space<hbm>>
      %dma_start3A_34 = tpu.memref_squeeze %dma_start3A_33 : memref<1x50000xf32, #tpu.memory_space<hbm>> -> memref<50000xf32, #tpu.memory_space<hbm>>
      %dma_start3A_35 = arith.constant 0 : i32
      %dma_start3A_36 = tpu.memref_slice %arg2[%add3A, %dma_start3A_35] : memref<32x50000xf32, #tpu.memory_space<hbm>> -> memref<1x50000xf32, #tpu.memory_space<hbm>>
      %dma_start3A_37 = tpu.memref_squeeze %dma_start3A_36 : memref<1x50000xf32, #tpu.memory_space<hbm>> -> memref<50000xf32, #tpu.memory_space<hbm>>
      tpu.enqueue_dma source(%dma_start3A_37 : memref<50000xf32, #tpu.memory_space<hbm>>) target(%arg6 : memref<50000xf32, #tpu.memory_space<vmem>>) target_semaphore(%run_scoped3A : memref<!tpu.dma_semaphore, #tpu.memory_space<semaphore_mem>>)
      %dma_wait3A = arith.constant 0 : i32
      %dma_wait3A_38 = tpu.memref_slice %arg2[%add3A, %dma_wait3A] : memref<32x50000xf32, #tpu.memory_space<hbm>> -> memref<1x50000xf32, #tpu.memory_space<hbm>>
      %dma_wait3A_39 = tpu.memref_squeeze %dma_wait3A_38 : memref<1x50000xf32, #tpu.memory_space<hbm>> -> memref<50000xf32, #tpu.memory_space<hbm>>
      %dma_wait3A_40 = arith.constant 0 : i32
      %dma_wait3A_41 = tpu.memref_slice %arg2[%add3A, %dma_wait3A_40] : memref<32x50000xf32, #tpu.memory_space<hbm>> -> memref<1x50000xf32, #tpu.memory_space<hbm>>
      %dma_wait3A_42 = tpu.memref_squeeze %dma_wait3A_41 : memref<1x50000xf32, #tpu.memory_space<hbm>> -> memref<50000xf32, #tpu.memory_space<hbm>>
      tpu.wait_dma2 semaphore(%run_scoped3A : memref<!tpu.dma_semaphore, #tpu.memory_space<semaphore_mem>>) src(%dma_wait3A_42 : memref<50000xf32, #tpu.memory_space<hbm>>) dst(%arg6 : memref<50000xf32, #tpu.memory_space<vmem>>)
      tpu.yield
    }) : () -> ()
    %scan3A = arith.constant 0 : i32
    %scan3A_19 = arith.constant 0 : i32
    %scan3A_20 = arith.constant 625 : i32
    %scan3A_21 = arith.addi %scan3A_19, %scan3A_20 : i32
    %scan3A_22 = arith.constant 1 : i32
    scf.for %scan3A_32 = %scan3A_19 to %scan3A_21 step %scan3A_22  : i32 {
      %broadcast_in_dim3A = arith.constant 0.000000e+00 : f32
      %broadcast_in_dim3A_33 = vector.broadcast %broadcast_in_dim3A : f32 to vector<16xf32>
      %mul3A_34 = arith.constant 16 : i32
      %mul3A_35 = arith.muli %scan3A_32, %mul3A_34 : i32
      %swap3A = arith.index_cast %mul3A_35 : i32 to index
      %swap3A_36 = tpu.vector_load %arg7[%swap3A] {strides = array<i32>} : memref<10000xf32, #tpu.memory_space<vmem>>, vector<16xf32>,
      tpu.vector_store %arg7[%swap3A], %broadcast_in_dim3A_33 {strides = array<i32>} : memref<10000xf32, #tpu.memory_space<vmem>>, vector<16xf32>,
    }
    %scan3A_23 = arith.constant 625 : i32
    %iota3A = tpu.iota {dimensions = array<i32: 0>} : vector<16xi32>
    %eq3A = arith.constant 15 : i32
    %eq3A_24 = vector.broadcast %eq3A : i32 to vector<16xi32>
    %eq3A_25 = arith.cmpi eq, %iota3A, %eq3A_24 : vector<16xi32>
    %scan3A_26 = arith.constant 0 : i32
    %scan3A_27 = arith.constant 0 : i32
    %scan3A_28 = arith.constant 10 : i32
    %scan3A_29 = arith.addi %scan3A_27, %scan3A_28 : i32
    %scan3A_30 = arith.constant 1 : i32
    scf.for %scan3A_32 = %scan3A_27 to %scan3A_29 step %scan3A_30  : i32 {
      %mul3A_33 = arith.constant 2 : i32
      %mul3A_34 = arith.muli %scan3A_32, %mul3A_33 : i32
      %add3A_35 = arith.constant 0 : i32
      %add3A_36 = arith.addi %mul3A_34, %add3A_35 : i32
      %dma_wait3A = arith.constant 0 : i32
      %dma_wait3A_37 = tpu.memref_slice %arg3[%dma_wait3A] : memref<160000xi32, #tpu.memory_space<hbm>> -> memref<8000xi32, #tpu.memory_space<hbm>>
      %dma_wait3A_38 = arith.constant 0 : i32
      %dma_wait3A_39 = tpu.memref_slice %arg3[%dma_wait3A_38] : memref<160000xi32, #tpu.memory_space<hbm>> -> memref<8000xi32, #tpu.memory_space<hbm>>
      tpu.wait_dma2 semaphore(%arg12 : memref<!tpu.dma_semaphore, #tpu.memory_space<semaphore_mem>>) src(%dma_wait3A_39 : memref<8000xi32, #tpu.memory_space<hbm>>) dst(%arg8 : memref<8000xi32, #tpu.memory_space<vmem>>)
      %dma_wait3A_40 = arith.constant 16 : i32
      %dma_wait3A_41 = tpu.memref_slice %arg10[%dma_wait3A_40] : memref<8032xi32, #tpu.memory_space<vmem>> -> memref<8000xi32, #tpu.memory_space<vmem>>
      %dma_wait3A_42 = arith.constant 0 : i32
      %dma_wait3A_43 = tpu.memref_slice %arg4[%dma_wait3A_42] : memref<160000xi32, #tpu.memory_space<hbm>> -> memref<8000xi32, #tpu.memory_space<hbm>>
      %dma_wait3A_44 = arith.constant 16 : i32
      %dma_wait3A_45 = tpu.memref_slice %arg10[%dma_wait3A_44] : memref<8032xi32, #tpu.memory_space<vmem>> -> memref<8000xi32, #tpu.memory_space<vmem>>
      %dma_wait3A_46 = arith.constant 0 : i32
      %dma_wait3A_47 = tpu.memref_slice %arg4[%dma_wait3A_46] : memref<160000xi32, #tpu.memory_space<hbm>> -> memref<8000xi32, #tpu.memory_space<hbm>>
      tpu.wait_dma2 semaphore(%arg14 : memref<!tpu.dma_semaphore, #tpu.memory_space<semaphore_mem>>) src(%dma_wait3A_47 : memref<8000xi32, #tpu.memory_space<hbm>>) dst(%dma_wait3A_45 : memref<8000xi32, #tpu.memory_space<vmem>>)
      %parallel_loop3A = arith.constant 0 : i32
      %parallel_loop3A_48 = arith.constant 500 : i32
      %parallel_loop3A_49 = arith.constant 1 : i32
      scf.for %parallel_loop3A_80 = %parallel_loop3A to %parallel_loop3A_48 step %parallel_loop3A_49  : i32 {
        %parallel_loop3A_81 = arith.constant 16 : i32
        %parallel_loop3A_82 = arith.muli %parallel_loop3A_80, %parallel_loop3A_81 : i32
        %parallel_loop3A_83 = arith.constant 16 : i32
        %parallel_loop3A_84 = arith.addi %parallel_loop3A_83, %parallel_loop3A_82 : i32
        %parallel_loop3A_85 = arith.constant 16 : i32
        %parallel_loop3A_86 = arith.muli %parallel_loop3A_80, %parallel_loop3A_85 : i32
        %parallel_loop3A_87 = arith.index_cast %parallel_loop3A_86 : i32 to index
        %parallel_loop3A_88 = tpu.vector_load %arg8[%parallel_loop3A_87] {strides = array<i32>} : memref<8000xi32, #tpu.memory_space<vmem>>, vector<16xi32>,
        %parallel_loop3A_89 = arith.index_cast %parallel_loop3A_84 : i32 to index
        %parallel_loop3A_90 = tpu.vector_load %arg10[%parallel_loop3A_89] {strides = array<i32>} : memref<8032xi32, #tpu.memory_space<vmem>>, vector<16xi32>,
        %parallel_loop3A_91 = tpu.vector_load_idx %arg6[%parallel_loop3A_88] : memref<50000xf32, #tpu.memory_space<vmem>>[vector<16xi32>], vector<16xf32>,
        %parallel_loop3A_92 = arith.constant 1 : i32
        %parallel_loop3A_93 = vector.broadcast %parallel_loop3A_92 : i32 to vector<16xi32>
        %parallel_loop3A_94 = arith.subi %iota3A, %parallel_loop3A_93 : vector<16xi32>
        %parallel_loop3A_95 = arith.constant 0 : i32
        %parallel_loop3A_96 = vector.broadcast %parallel_loop3A_95 : i32 to vector<16xi32>
        %parallel_loop3A_97 = arith.maxsi %parallel_loop3A_94, %parallel_loop3A_96 : vector<16xi32>
        %parallel_loop3A_98 = vector.shape_cast %parallel_loop3A_97 : vector<16xi32> to vector<16x1xi32>
        %parallel_loop3A_99 = vector.shape_cast %parallel_loop3A_98 : vector<16x1xi32> to vector<16xi32>
        %parallel_loop3A_100 = tpu.dynamic_gather %parallel_loop3A_90[%parallel_loop3A_99] in [0] : vector<16xi32>, vector<16xi32> -> vector<16xi32>
        %parallel_loop3A_101 = arith.constant 1 : i32
        %parallel_loop3A_102 = vector.broadcast %parallel_loop3A_101 : i32 to vector<16xi32>
        %parallel_loop3A_103 = arith.addi %iota3A, %parallel_loop3A_102 : vector<16xi32>
        %parallel_loop3A_104 = arith.constant 15 : i32
        %parallel_loop3A_105 = vector.broadcast %parallel_loop3A_104 : i32 to vector<16xi32>
        %parallel_loop3A_106 = arith.minsi %parallel_loop3A_103, %parallel_loop3A_105 : vector<16xi32>
        %parallel_loop3A_107 = vector.shape_cast %parallel_loop3A_106 : vector<16xi32> to vector<16x1xi32>
        %parallel_loop3A_108 = vector.shape_cast %parallel_loop3A_107 : vector<16x1xi32> to vector<16xi32>
        %parallel_loop3A_109 = tpu.dynamic_gather %parallel_loop3A_90[%parallel_loop3A_108] in [0] : vector<16xi32>, vector<16xi32> -> vector<16xi32>
        %parallel_loop3A_110 = arith.cmpi ne, %parallel_loop3A_90, %parallel_loop3A_100 : vector<16xi32>
        %parallel_loop3A_111 = arith.constant 0 : i32
        %parallel_loop3A_112 = vector.broadcast %parallel_loop3A_111 : i32 to vector<16xi32>
        %parallel_loop3A_113 = arith.select %parallel_loop3A_110, %iota3A, %parallel_loop3A_112 : vector<16xi1>, vector<16xi32>
        %parallel_loop3A_114 = arith.constant true
        %parallel_loop3A_115 = vector.broadcast %parallel_loop3A_114 : i1 to vector<16xi1>
        %parallel_loop3A_116 = arith.constant -2147483648 : i32
        %parallel_loop3A_117 = vector.broadcast %parallel_loop3A_116 : i32 to vector<16xi32>
        %parallel_loop3A_118 = arith.xori %parallel_loop3A_113, %parallel_loop3A_117 : vector<16xi32>
        %parallel_loop3A_119 = tpu.scan <max>, %parallel_loop3A_118 masked %parallel_loop3A_115 : vector<16xi32>, vector<16xi1> -> vector<16xi32>
        %parallel_loop3A_120 = arith.xori %parallel_loop3A_119, %parallel_loop3A_117 : vector<16xi32>
        %parallel_loop3A_121 = arith.constant true
        %parallel_loop3A_122 = vector.broadcast %parallel_loop3A_121 : i1 to vector<16xi1>
        %parallel_loop3A_123 = tpu.scan <sum>, %parallel_loop3A_91 masked %parallel_loop3A_122 : vector<16xf32>, vector<16xi1> -> vector<16xf32>
        %parallel_loop3A_124 = arith.constant 1 : i32
        %parallel_loop3A_125 = vector.broadcast %parallel_loop3A_124 : i32 to vector<16xi32>
        %parallel_loop3A_126 = arith.subi %parallel_loop3A_120, %parallel_loop3A_125 : vector<16xi32>
        %parallel_loop3A_127 = arith.constant 0 : i32
        %parallel_loop3A_128 = vector.broadcast %parallel_loop3A_127 : i32 to vector<16xi32>
        %parallel_loop3A_129 = arith.maxsi %parallel_loop3A_126, %parallel_loop3A_128 : vector<16xi32>
        %parallel_loop3A_130 = vector.shape_cast %parallel_loop3A_129 : vector<16xi32> to vector<16x1xi32>
        %parallel_loop3A_131 = vector.shape_cast %parallel_loop3A_130 : vector<16x1xi32> to vector<16xi32>
        %parallel_loop3A_132 = tpu.dynamic_gather %parallel_loop3A_123[%parallel_loop3A_131] in [0] : vector<16xf32>, vector<16xi32> -> vector<16xf32>
        %parallel_loop3A_133 = arith.constant 0 : i32
        %parallel_loop3A_134 = vector.broadcast %parallel_loop3A_133 : i32 to vector<16xi32>
        %parallel_loop3A_135 = arith.cmpi sgt, %parallel_loop3A_120, %parallel_loop3A_134 : vector<16xi32>
        %parallel_loop3A_136 = arith.constant 0.000000e+00 : f32
        %parallel_loop3A_137 = vector.broadcast %parallel_loop3A_136 : f32 to vector<16xf32>
        %parallel_loop3A_138 = arith.select %parallel_loop3A_135, %parallel_loop3A_132, %parallel_loop3A_137 : vector<16xi1>, vector<16xf32>
        %parallel_loop3A_139 = arith.subf %parallel_loop3A_123, %parallel_loop3A_138 : vector<16xf32>
        %parallel_loop3A_140 = arith.cmpi ne, %parallel_loop3A_90, %parallel_loop3A_109 : vector<16xi32>
        %parallel_loop3A_141 = arith.ori %parallel_loop3A_140, %eq3A_25 : vector<16xi1>
        tpu.vector_store_idx %arg7[%parallel_loop3A_90], %parallel_loop3A_139 masked %parallel_loop3A_141 {add = true} : memref<10000xf32, #tpu.memory_space<vmem>>[vector<16xi32>], vector<16xf32>, vector<16xi1>
      } {sc.loop_unroll_factor = 8 : i64, sc.parallel_access}
      %add3A_50 = arith.constant 2 : i32
      %add3A_51 = arith.addi %add3A_36, %add3A_50 : i32
      %lt3A = arith.constant 20 : i32
      %lt3A_52 = arith.cmpi slt, %add3A_51, %lt3A : i32
      %convert_element_type3A = arith.extui %lt3A_52 : i1 to i32
      %cond3A = arith.constant 0 : i32
      %cond3A_53 = arith.cmpi ne, %convert_element_type3A, %cond3A : i32
      scf.if %cond3A_53 {
        %add3A_80 = arith.constant 2 : i32
        %add3A_81 = arith.addi %add3A_36, %add3A_80 : i32
        %mul3A_82 = arith.constant 8000 : i32
        %mul3A_83 = arith.muli %add3A_81, %mul3A_82 : i32
        %multiple_of3A_84 = tpu.assume_multiple %mul3A_83, 8 : i32
        %dma_start3A_85 = tpu.memref_slice %arg3[%multiple_of3A_84] : memref<160000xi32, #tpu.memory_space<hbm>> -> memref<8000xi32, #tpu.memory_space<hbm>>
        %dma_start3A_86 = tpu.memref_slice %arg3[%multiple_of3A_84] : memref<160000xi32, #tpu.memory_space<hbm>> -> memref<8000xi32, #tpu.memory_space<hbm>>
        tpu.enqueue_dma source(%dma_start3A_86 : memref<8000xi32, #tpu.memory_space<hbm>>) target(%arg8 : memref<8000xi32, #tpu.memory_space<vmem>>) target_semaphore(%arg12 : memref<!tpu.dma_semaphore, #tpu.memory_space<semaphore_mem>>)
        %dma_start3A_87 = arith.constant 16 : i32
        %dma_start3A_88 = tpu.memref_slice %arg10[%dma_start3A_87] : memref<8032xi32, #tpu.memory_space<vmem>> -> memref<8000xi32, #tpu.memory_space<vmem>>
        %dma_start3A_89 = tpu.memref_slice %arg4[%multiple_of3A_84] : memref<160000xi32, #tpu.memory_space<hbm>> -> memref<8000xi32, #tpu.memory_space<hbm>>
        %dma_start3A_90 = arith.constant 16 : i32
        %dma_start3A_91 = tpu.memref_slice %arg10[%dma_start3A_90] : memref<8032xi32, #tpu.memory_space<vmem>> -> memref<8000xi32, #tpu.memory_space<vmem>>
        %dma_start3A_92 = tpu.memref_slice %arg4[%multiple_of3A_84] : memref<160000xi32, #tpu.memory_space<hbm>> -> memref<8000xi32, #tpu.memory_space<hbm>>
        tpu.enqueue_dma source(%dma_start3A_92 : memref<8000xi32, #tpu.memory_space<hbm>>) target(%dma_start3A_91 : memref<8000xi32, #tpu.memory_space<vmem>>) target_semaphore(%arg14 : memref<!tpu.dma_semaphore, #tpu.memory_space<semaphore_mem>>)
      } else {
      }
      %mul3A_54 = arith.constant 2 : i32
      %mul3A_55 = arith.muli %scan3A_32, %mul3A_54 : i32
      %add3A_56 = arith.constant 1 : i32
      %add3A_57 = arith.addi %mul3A_55, %add3A_56 : i32
      %dma_wait3A_58 = arith.constant 0 : i32
      %dma_wait3A_59 = tpu.memref_slice %arg3[%dma_wait3A_58] : memref<160000xi32, #tpu.memory_space<hbm>> -> memref<8000xi32, #tpu.memory_space<hbm>>
      %dma_wait3A_60 = arith.constant 0 : i32
      %dma_wait3A_61 = tpu.memref_slice %arg3[%dma_wait3A_60] : memref<160000xi32, #tpu.memory_space<hbm>> -> memref<8000xi32, #tpu.memory_space<hbm>>
      tpu.wait_dma2 semaphore(%arg13 : memref<!tpu.dma_semaphore, #tpu.memory_space<semaphore_mem>>) src(%dma_wait3A_61 : memref<8000xi32, #tpu.memory_space<hbm>>) dst(%arg9 : memref<8000xi32, #tpu.memory_space<vmem>>)
      %dma_wait3A_62 = arith.constant 16 : i32
      %dma_wait3A_63 = tpu.memref_slice %arg11[%dma_wait3A_62] : memref<8032xi32, #tpu.memory_space<vmem>> -> memref<8000xi32, #tpu.memory_space<vmem>>
      %dma_wait3A_64 = arith.constant 0 : i32
      %dma_wait3A_65 = tpu.memref_slice %arg4[%dma_wait3A_64] : memref<160000xi32, #tpu.memory_space<hbm>> -> memref<8000xi32, #tpu.memory_space<hbm>>
      %dma_wait3A_66 = arith.constant 16 : i32
      %dma_wait3A_67 = tpu.memref_slice %arg11[%dma_wait3A_66] : memref<8032xi32, #tpu.memory_space<vmem>> -> memref<8000xi32, #tpu.memory_space<vmem>>
      %dma_wait3A_68 = arith.constant 0 : i32
      %dma_wait3A_69 = tpu.memref_slice %arg4[%dma_wait3A_68] : memref<160000xi32, #tpu.memory_space<hbm>> -> memref<8000xi32, #tpu.memory_space<hbm>>
      tpu.wait_dma2 semaphore(%arg15 : memref<!tpu.dma_semaphore, #tpu.memory_space<semaphore_mem>>) src(%dma_wait3A_69 : memref<8000xi32, #tpu.memory_space<hbm>>) dst(%dma_wait3A_67 : memref<8000xi32, #tpu.memory_space<vmem>>)
      %parallel_loop3A_70 = arith.constant 0 : i32
      %parallel_loop3A_71 = arith.constant 500 : i32
      %parallel_loop3A_72 = arith.constant 1 : i32
      scf.for %parallel_loop3A_80 = %parallel_loop3A_70 to %parallel_loop3A_71 step %parallel_loop3A_72  : i32 {
        %parallel_loop3A_81 = arith.constant 16 : i32
        %parallel_loop3A_82 = arith.muli %parallel_loop3A_80, %parallel_loop3A_81 : i32
        %parallel_loop3A_83 = arith.constant 16 : i32
        %parallel_loop3A_84 = arith.addi %parallel_loop3A_83, %parallel_loop3A_82 : i32
        %parallel_loop3A_85 = arith.constant 16 : i32
        %parallel_loop3A_86 = arith.muli %parallel_loop3A_80, %parallel_loop3A_85 : i32
        %parallel_loop3A_87 = arith.index_cast %parallel_loop3A_86 : i32 to index
        %parallel_loop3A_88 = tpu.vector_load %arg9[%parallel_loop3A_87] {strides = array<i32>} : memref<8000xi32, #tpu.memory_space<vmem>>, vector<16xi32>,
        %parallel_loop3A_89 = arith.index_cast %parallel_loop3A_84 : i32 to index
        %parallel_loop3A_90 = tpu.vector_load %arg11[%parallel_loop3A_89] {strides = array<i32>} : memref<8032xi32, #tpu.memory_space<vmem>>, vector<16xi32>,
        %parallel_loop3A_91 = tpu.vector_load_idx %arg6[%parallel_loop3A_88] : memref<50000xf32, #tpu.memory_space<vmem>>[vector<16xi32>], vector<16xf32>,
        %parallel_loop3A_92 = arith.constant 1 : i32
        %parallel_loop3A_93 = vector.broadcast %parallel_loop3A_92 : i32 to vector<16xi32>
        %parallel_loop3A_94 = arith.subi %iota3A, %parallel_loop3A_93 : vector<16xi32>
        %parallel_loop3A_95 = arith.constant 0 : i32
        %parallel_loop3A_96 = vector.broadcast %parallel_loop3A_95 : i32 to vector<16xi32>
        %parallel_loop3A_97 = arith.maxsi %parallel_loop3A_94, %parallel_loop3A_96 : vector<16xi32>
        %parallel_loop3A_98 = vector.shape_cast %parallel_loop3A_97 : vector<16xi32> to vector<16x1xi32>
        %parallel_loop3A_99 = vector.shape_cast %parallel_loop3A_98 : vector<16x1xi32> to vector<16xi32>
        %parallel_loop3A_100 = tpu.dynamic_gather %parallel_loop3A_90[%parallel_loop3A_99] in [0] : vector<16xi32>, vector<16xi32> -> vector<16xi32>
        %parallel_loop3A_101 = arith.constant 1 : i32
        %parallel_loop3A_102 = vector.broadcast %parallel_loop3A_101 : i32 to vector<16xi32>
        %parallel_loop3A_103 = arith.addi %iota3A, %parallel_loop3A_102 : vector<16xi32>
        %parallel_loop3A_104 = arith.constant 15 : i32
        %parallel_loop3A_105 = vector.broadcast %parallel_loop3A_104 : i32 to vector<16xi32>
        %parallel_loop3A_106 = arith.minsi %parallel_loop3A_103, %parallel_loop3A_105 : vector<16xi32>
        %parallel_loop3A_107 = vector.shape_cast %parallel_loop3A_106 : vector<16xi32> to vector<16x1xi32>
        %parallel_loop3A_108 = vector.shape_cast %parallel_loop3A_107 : vector<16x1xi32> to vector<16xi32>
        %parallel_loop3A_109 = tpu.dynamic_gather %parallel_loop3A_90[%parallel_loop3A_108] in [0] : vector<16xi32>, vector<16xi32> -> vector<16xi32>
        %parallel_loop3A_110 = arith.cmpi ne, %parallel_loop3A_90, %parallel_loop3A_100 : vector<16xi32>
        %parallel_loop3A_111 = arith.constant 0 : i32
        %parallel_loop3A_112 = vector.broadcast %parallel_loop3A_111 : i32 to vector<16xi32>
        %parallel_loop3A_113 = arith.select %parallel_loop3A_110, %iota3A, %parallel_loop3A_112 : vector<16xi1>, vector<16xi32>
        %parallel_loop3A_114 = arith.constant true
        %parallel_loop3A_115 = vector.broadcast %parallel_loop3A_114 : i1 to vector<16xi1>
        %parallel_loop3A_116 = arith.constant -2147483648 : i32
        %parallel_loop3A_117 = vector.broadcast %parallel_loop3A_116 : i32 to vector<16xi32>
        %parallel_loop3A_118 = arith.xori %parallel_loop3A_113, %parallel_loop3A_117 : vector<16xi32>
        %parallel_loop3A_119 = tpu.scan <max>, %parallel_loop3A_118 masked %parallel_loop3A_115 : vector<16xi32>, vector<16xi1> -> vector<16xi32>
        %parallel_loop3A_120 = arith.xori %parallel_loop3A_119, %parallel_loop3A_117 : vector<16xi32>
        %parallel_loop3A_121 = arith.constant true
        %parallel_loop3A_122 = vector.broadcast %parallel_loop3A_121 : i1 to vector<16xi1>
        %parallel_loop3A_123 = tpu.scan <sum>, %parallel_loop3A_91 masked %parallel_loop3A_122 : vector<16xf32>, vector<16xi1> -> vector<16xf32>
        %parallel_loop3A_124 = arith.constant 1 : i32
        %parallel_loop3A_125 = vector.broadcast %parallel_loop3A_124 : i32 to vector<16xi32>
        %parallel_loop3A_126 = arith.subi %parallel_loop3A_120, %parallel_loop3A_125 : vector<16xi32>
        %parallel_loop3A_127 = arith.constant 0 : i32
        %parallel_loop3A_128 = vector.broadcast %parallel_loop3A_127 : i32 to vector<16xi32>
        %parallel_loop3A_129 = arith.maxsi %parallel_loop3A_126, %parallel_loop3A_128 : vector<16xi32>
        %parallel_loop3A_130 = vector.shape_cast %parallel_loop3A_129 : vector<16xi32> to vector<16x1xi32>
        %parallel_loop3A_131 = vector.shape_cast %parallel_loop3A_130 : vector<16x1xi32> to vector<16xi32>
        %parallel_loop3A_132 = tpu.dynamic_gather %parallel_loop3A_123[%parallel_loop3A_131] in [0] : vector<16xf32>, vector<16xi32> -> vector<16xf32>
        %parallel_loop3A_133 = arith.constant 0 : i32
        %parallel_loop3A_134 = vector.broadcast %parallel_loop3A_133 : i32 to vector<16xi32>
        %parallel_loop3A_135 = arith.cmpi sgt, %parallel_loop3A_120, %parallel_loop3A_134 : vector<16xi32>
        %parallel_loop3A_136 = arith.constant 0.000000e+00 : f32
        %parallel_loop3A_137 = vector.broadcast %parallel_loop3A_136 : f32 to vector<16xf32>
        %parallel_loop3A_138 = arith.select %parallel_loop3A_135, %parallel_loop3A_132, %parallel_loop3A_137 : vector<16xi1>, vector<16xf32>
        %parallel_loop3A_139 = arith.subf %parallel_loop3A_123, %parallel_loop3A_138 : vector<16xf32>
        %parallel_loop3A_140 = arith.cmpi ne, %parallel_loop3A_90, %parallel_loop3A_109 : vector<16xi32>
        %parallel_loop3A_141 = arith.ori %parallel_loop3A_140, %eq3A_25 : vector<16xi1>
        tpu.vector_store_idx %arg7[%parallel_loop3A_90], %parallel_loop3A_139 masked %parallel_loop3A_141 {add = true} : memref<10000xf32, #tpu.memory_space<vmem>>[vector<16xi32>], vector<16xf32>, vector<16xi1>
      } {sc.loop_unroll_factor = 8 : i64, sc.parallel_access}
      %add3A_73 = arith.constant 2 : i32
      %add3A_74 = arith.addi %add3A_57, %add3A_73 : i32
      %lt3A_75 = arith.constant 20 : i32
      %lt3A_76 = arith.cmpi slt, %add3A_74, %lt3A_75 : i32
      %convert_element_type3A_77 = arith.extui %lt3A_76 : i1 to i32
      %cond3A_78 = arith.constant 0 : i32
      %cond3A_79 = arith.cmpi ne, %convert_element_type3A_77, %cond3A_78 : i32
      scf.if %cond3A_79 {
        %add3A_80 = arith.constant 2 : i32
        %add3A_81 = arith.addi %add3A_57, %add3A_80 : i32
        %mul3A_82 = arith.constant 8000 : i32
        %mul3A_83 = arith.muli %add3A_81, %mul3A_82 : i32
        %multiple_of3A_84 = tpu.assume_multiple %mul3A_83, 8 : i32
        %dma_start3A_85 = tpu.memref_slice %arg3[%multiple_of3A_84] : memref<160000xi32, #tpu.memory_space<hbm>> -> memref<8000xi32, #tpu.memory_space<hbm>>
        %dma_start3A_86 = tpu.memref_slice %arg3[%multiple_of3A_84] : memref<160000xi32, #tpu.memory_space<hbm>> -> memref<8000xi32, #tpu.memory_space<hbm>>
        tpu.enqueue_dma source(%dma_start3A_86 : memref<8000xi32, #tpu.memory_space<hbm>>) target(%arg9 : memref<8000xi32, #tpu.memory_space<vmem>>) target_semaphore(%arg13 : memref<!tpu.dma_semaphore, #tpu.memory_space<semaphore_mem>>)
        %dma_start3A_87 = arith.constant 16 : i32
        %dma_start3A_88 = tpu.memref_slice %arg11[%dma_start3A_87] : memref<8032xi32, #tpu.memory_space<vmem>> -> memref<8000xi32, #tpu.memory_space<vmem>>
        %dma_start3A_89 = tpu.memref_slice %arg4[%multiple_of3A_84] : memref<160000xi32, #tpu.memory_space<hbm>> -> memref<8000xi32, #tpu.memory_space<hbm>>
        %dma_start3A_90 = arith.constant 16 : i32
        %dma_start3A_91 = tpu.memref_slice %arg11[%dma_start3A_90] : memref<8032xi32, #tpu.memory_space<vmem>> -> memref<8000xi32, #tpu.memory_space<vmem>>
        %dma_start3A_92 = tpu.memref_slice %arg4[%multiple_of3A_84] : memref<160000xi32, #tpu.memory_space<hbm>> -> memref<8000xi32, #tpu.memory_space<hbm>>
        tpu.enqueue_dma source(%dma_start3A_92 : memref<8000xi32, #tpu.memory_space<hbm>>) target(%dma_start3A_91 : memref<8000xi32, #tpu.memory_space<vmem>>) target_semaphore(%arg15 : memref<!tpu.dma_semaphore, #tpu.memory_space<semaphore_mem>>)
      } else {
      }
    }
    %scan3A_31 = arith.constant 10 : i32
    "tpu.region"() ({
      %run_scoped3A = tpu.sem_alloc : memref<!tpu.dma_semaphore, #tpu.memory_space<semaphore_mem>>
      %dma_start3A_32 = arith.constant 0 : i32
      %dma_start3A_33 = tpu.memref_slice %arg5[%add3A, %dma_start3A_32] : memref<32x10000xf32, #tpu.memory_space<hbm>> -> memref<1x10000xf32, #tpu.memory_space<hbm>>
      %dma_start3A_34 = tpu.memref_squeeze %dma_start3A_33 : memref<1x10000xf32, #tpu.memory_space<hbm>> -> memref<10000xf32, #tpu.memory_space<hbm>>
      %dma_start3A_35 = arith.constant 0 : i32
      %dma_start3A_36 = tpu.memref_slice %arg5[%add3A, %dma_start3A_35] : memref<32x10000xf32, #tpu.memory_space<hbm>> -> memref<1x10000xf32, #tpu.memory_space<hbm>>
      %dma_start3A_37 = tpu.memref_squeeze %dma_start3A_36 : memref<1x10000xf32, #tpu.memory_space<hbm>> -> memref<10000xf32, #tpu.memory_space<hbm>>
      tpu.enqueue_dma source(%arg7 : memref<10000xf32, #tpu.memory_space<vmem>>) target(%dma_start3A_37 : memref<10000xf32, #tpu.memory_space<hbm>>) target_semaphore(%run_scoped3A : memref<!tpu.dma_semaphore, #tpu.memory_space<semaphore_mem>>)
      %dma_wait3A = arith.constant 0 : i32
      %dma_wait3A_38 = tpu.memref_slice %arg5[%add3A, %dma_wait3A] : memref<32x10000xf32, #tpu.memory_space<hbm>> -> memref<1x10000xf32, #tpu.memory_space<hbm>>
      %dma_wait3A_39 = tpu.memref_squeeze %dma_wait3A_38 : memref<1x10000xf32, #tpu.memory_space<hbm>> -> memref<10000xf32, #tpu.memory_space<hbm>>
      %dma_wait3A_40 = arith.constant 0 : i32
      %dma_wait3A_41 = tpu.memref_slice %arg5[%add3A, %dma_wait3A_40] : memref<32x10000xf32, #tpu.memory_space<hbm>> -> memref<1x10000xf32, #tpu.memory_space<hbm>>
      %dma_wait3A_42 = tpu.memref_squeeze %dma_wait3A_41 : memref<1x10000xf32, #tpu.memory_space<hbm>> -> memref<10000xf32, #tpu.memory_space<hbm>>
      tpu.wait_dma2 semaphore(%run_scoped3A : memref<!tpu.dma_semaphore, #tpu.memory_space<semaphore_mem>>) src(%arg7 : memref<10000xf32, #tpu.memory_space<vmem>>) dst(%dma_wait3A_42 : memref<10000xf32, #tpu.memory_space<hbm>>)
      tpu.yield
    }) : () -> ()
    return
  }
}

module attributes {stable_mosaic.version = 14 : i64} {
  func.func @_mlp_body(%arg0: i32, %arg1: memref<32x10000xf32, #tpu.memory_space<vmem>>, %arg2: memref<10000x256xf32, #tpu.memory_space<vmem>>, %arg3: memref<256xf32, #tpu.memory_space<vmem>>, %arg4: memref<256xf32, #tpu.memory_space<vmem>>, %arg5: memref<256xf32, #tpu.memory_space<vmem>>, %arg6: memref<1024x256xf32, #tpu.memory_space<vmem>>, %arg7: memref<256xf32, #tpu.memory_space<vmem>>, %arg8: memref<256xf32, #tpu.memory_space<vmem>>, %arg9: memref<256xf32, #tpu.memory_space<vmem>>, %arg10: memref<256x1xf32, #tpu.memory_space<vmem>>, %arg11: memref<1xf32, #tpu.memory_space<vmem>>, %arg12: memref<32x1xf32, #tpu.memory_space<vmem>>, %arg13: memref<32x1024xf32, #tpu.memory_space<vmem>>) attributes {dimension_semantics = [#tpu.dimension_semantics<arbitrary>], iteration_bounds = array<i64: 4>, scalar_prefetch = 0 : i64, scratch_operands = 1 : i64, tpu.core_type = #tpu.core_type<tc>, window_params = [{pipeline_mode = #tpu.pipeline_mode<synchronous>, transform_indices = @transform_0, window_bounds = array<i64: 32, 10000>}, {transform_indices = @transform_1, window_bounds = array<i64: 10000, 256>}, {transform_indices = @transform_2, window_bounds = array<i64: 256>}, {transform_indices = @transform_3, window_bounds = array<i64: 256>}, {transform_indices = @transform_4, window_bounds = array<i64: 256>}, {pipeline_mode = #tpu.pipeline_mode<synchronous>, transform_indices = @transform_5, window_bounds = array<i64: 1024, 256>}, {pipeline_mode = #tpu.pipeline_mode<synchronous>, transform_indices = @transform_6, window_bounds = array<i64: 256>}, {pipeline_mode = #tpu.pipeline_mode<synchronous>, transform_indices = @transform_7, window_bounds = array<i64: 256>}, {pipeline_mode = #tpu.pipeline_mode<synchronous>, transform_indices = @transform_8, window_bounds = array<i64: 256>}, {pipeline_mode = #tpu.pipeline_mode<synchronous>, transform_indices = @transform_9, window_bounds = array<i64: 256, 1>}, {pipeline_mode = #tpu.pipeline_mode<synchronous>, transform_indices = @transform_10, window_bounds = array<i64: 1>}, {pipeline_mode = #tpu.pipeline_mode<synchronous>, transform_indices = @transform_11, window_bounds = array<i64: 32, 1>}]} {
    %get3A = arith.constant 0 : index
    %get3A_0 = arith.constant 0 : index
    %get3A_1 = vector.load %arg1[%get3A, %get3A_0] : memref<32x10000xf32, #tpu.memory_space<vmem>>, vector<32x10000xf32>
    %get3A_2 = arith.constant 0 : index
    %get3A_3 = arith.constant 0 : index
    %get3A_4 = vector.load %arg2[%get3A_2, %get3A_3] : memref<10000x256xf32, #tpu.memory_space<vmem>>, vector<10000x256xf32>
    %dot_general3A = arith.constant dense<0.000000e+00> : vector<32x256xf32>
    %dot_general3A_5 = tpu.matmul %get3A_1, %get3A_4, %dot_general3A {dimension_numbers = #tpu.dot_dimension_numbers<[1], [0], [0], [1], [0, 0, 1, 1], [], []>, transpose_lhs_hint = false} : vector<32x10000xf32>, vector<10000x256xf32>, vector<32x256xf32> -> vector<32x256xf32>
    %get3A_6 = arith.constant 0 : index
    %get3A_7 = vector.load %arg3[%get3A_6] : memref<256xf32, #tpu.memory_space<vmem>>, vector<256xf32>
    %broadcast_in_dim3A = vector.shape_cast %get3A_7 : vector<256xf32> to vector<1x256xf32>
    %add3A = vector.broadcast %broadcast_in_dim3A : vector<1x256xf32> to vector<32x256xf32>
    %add3A_8 = arith.addf %dot_general3A_5, %add3A : vector<32x256xf32>
    %reduce_sum3A = arith.constant dense<0.000000e+00> : vector<256xf32>
    %reduce_sum3A_9 = vector.multi_reduction <add>, %add3A_8, %reduce_sum3A [0] : vector<32x256xf32> to vector<256xf32>
    %broadcast_in_dim3A_10 = vector.shape_cast %reduce_sum3A_9 : vector<256xf32> to vector<1x256xf32>
    %div3A = arith.constant 3.200000e+01 : f32
    %div3A_11 = vector.broadcast %div3A : f32 to vector<1x256xf32>
    %div3A_12 = arith.divf %broadcast_in_dim3A_10, %div3A_11 : vector<1x256xf32>
    %sub3A = vector.broadcast %div3A_12 : vector<1x256xf32> to vector<32x256xf32>
    %sub3A_13 = arith.subf %add3A_8, %sub3A : vector<32x256xf32>
    %sub3A_14 = vector.broadcast %div3A_12 : vector<1x256xf32> to vector<32x256xf32>
    %sub3A_15 = arith.subf %add3A_8, %sub3A_14 : vector<32x256xf32>
    %mul3A = arith.mulf %sub3A_13, %sub3A_15 : vector<32x256xf32>
    %reduce_sum3A_16 = arith.constant dense<0.000000e+00> : vector<256xf32>
    %reduce_sum3A_17 = vector.multi_reduction <add>, %mul3A, %reduce_sum3A_16 [0] : vector<32x256xf32> to vector<256xf32>
    %broadcast_in_dim3A_18 = vector.shape_cast %reduce_sum3A_17 : vector<256xf32> to vector<1x256xf32>
    %div3A_19 = arith.constant 3.200000e+01 : f32
    %div3A_20 = vector.broadcast %div3A_19 : f32 to vector<1x256xf32>
    %div3A_21 = arith.divf %broadcast_in_dim3A_18, %div3A_20 : vector<1x256xf32>
    %get3A_22 = arith.constant 0 : index
    %get3A_23 = vector.load %arg4[%get3A_22] : memref<256xf32, #tpu.memory_space<vmem>>, vector<256xf32>
    %broadcast_in_dim3A_24 = vector.shape_cast %get3A_23 : vector<256xf32> to vector<1x256xf32>
    %sub3A_25 = vector.broadcast %div3A_12 : vector<1x256xf32> to vector<32x256xf32>
    %sub3A_26 = arith.subf %add3A_8, %sub3A_25 : vector<32x256xf32>
    %mul3A_27 = vector.broadcast %broadcast_in_dim3A_24 : vector<1x256xf32> to vector<32x256xf32>
    %mul3A_28 = arith.mulf %mul3A_27, %sub3A_26 : vector<32x256xf32>
    %add3A_29 = arith.constant 9.99999974E-6 : f32
    %add3A_30 = vector.broadcast %add3A_29 : f32 to vector<1x256xf32>
    %add3A_31 = arith.addf %div3A_21, %add3A_30 : vector<1x256xf32>
    %sqrt3A = math.sqrt %add3A_31 : vector<1x256xf32>
    %div3A_32 = vector.broadcast %sqrt3A : vector<1x256xf32> to vector<32x256xf32>
    %div3A_33 = arith.divf %mul3A_28, %div3A_32 : vector<32x256xf32>
    %get3A_34 = arith.constant 0 : index
    %get3A_35 = vector.load %arg5[%get3A_34] : memref<256xf32, #tpu.memory_space<vmem>>, vector<256xf32>
    %broadcast_in_dim3A_36 = vector.shape_cast %get3A_35 : vector<256xf32> to vector<1x256xf32>
    %add3A_37 = vector.broadcast %broadcast_in_dim3A_36 : vector<1x256xf32> to vector<32x256xf32>
    %add3A_38 = arith.addf %div3A_33, %add3A_37 : vector<32x256xf32>
    %max3A = arith.constant 0.000000e+00 : f32
    %max3A_39 = vector.broadcast %max3A : f32 to vector<32x256xf32>
    %max3A_40 = arith.maximumf %add3A_38, %max3A_39 : vector<32x256xf32>
    %mul3A_41 = arith.constant 256 : i32
    %mul3A_42 = arith.muli %arg0, %mul3A_41 : i32
    %swap3A = arith.constant 0 : index
    %swap3A_43 = arith.index_cast %mul3A_42 : i32 to index
    %swap3A_44 = vector.load %arg13[%swap3A, %swap3A_43] : memref<32x1024xf32, #tpu.memory_space<vmem>>, vector<32x256xf32>
    tpu.vector_store %arg13[%swap3A, %swap3A_43], %max3A_40 {strides = array<i32>} : memref<32x1024xf32, #tpu.memory_space<vmem>>, vector<32x256xf32>,
    %eq3A = arith.constant 3 : i32
    %eq3A_45 = arith.cmpi eq, %arg0, %eq3A : i32
    %convert_element_type3A = arith.extui %eq3A_45 : i1 to i32
    %cond3A = arith.constant 0 : i32
    %cond3A_46 = arith.cmpi ne, %convert_element_type3A, %cond3A : i32
    scf.if %cond3A_46 {
      %get3A_47 = arith.constant 0 : index
      %get3A_48 = arith.constant 0 : index
      %get3A_49 = vector.load %arg13[%get3A_47, %get3A_48] : memref<32x1024xf32, #tpu.memory_space<vmem>>, vector<32x1024xf32>
      %get3A_50 = arith.constant 0 : index
      %get3A_51 = arith.constant 0 : index
      %get3A_52 = vector.load %arg6[%get3A_50, %get3A_51] : memref<1024x256xf32, #tpu.memory_space<vmem>>, vector<1024x256xf32>
      %dot_general3A_53 = arith.constant dense<0.000000e+00> : vector<32x256xf32>
      %dot_general3A_54 = tpu.matmul %get3A_49, %get3A_52, %dot_general3A_53 {dimension_numbers = #tpu.dot_dimension_numbers<[1], [0], [0], [1], [0, 0, 1, 1], [], []>, transpose_lhs_hint = false} : vector<32x1024xf32>, vector<1024x256xf32>, vector<32x256xf32> -> vector<32x256xf32>
      %get3A_55 = arith.constant 0 : index
      %get3A_56 = vector.load %arg7[%get3A_55] : memref<256xf32, #tpu.memory_space<vmem>>, vector<256xf32>
      %broadcast_in_dim3A_57 = vector.shape_cast %get3A_56 : vector<256xf32> to vector<1x256xf32>
      %add3A_58 = vector.broadcast %broadcast_in_dim3A_57 : vector<1x256xf32> to vector<32x256xf32>
      %add3A_59 = arith.addf %dot_general3A_54, %add3A_58 : vector<32x256xf32>
      %reduce_sum3A_60 = arith.constant dense<0.000000e+00> : vector<256xf32>
      %reduce_sum3A_61 = vector.multi_reduction <add>, %add3A_59, %reduce_sum3A_60 [0] : vector<32x256xf32> to vector<256xf32>
      %broadcast_in_dim3A_62 = vector.shape_cast %reduce_sum3A_61 : vector<256xf32> to vector<1x256xf32>
      %div3A_63 = arith.constant 3.200000e+01 : f32
      %div3A_64 = vector.broadcast %div3A_63 : f32 to vector<1x256xf32>
      %div3A_65 = arith.divf %broadcast_in_dim3A_62, %div3A_64 : vector<1x256xf32>
      %sub3A_66 = vector.broadcast %div3A_65 : vector<1x256xf32> to vector<32x256xf32>
      %sub3A_67 = arith.subf %add3A_59, %sub3A_66 : vector<32x256xf32>
      %sub3A_68 = vector.broadcast %div3A_65 : vector<1x256xf32> to vector<32x256xf32>
      %sub3A_69 = arith.subf %add3A_59, %sub3A_68 : vector<32x256xf32>
      %mul3A_70 = arith.mulf %sub3A_67, %sub3A_69 : vector<32x256xf32>
      %reduce_sum3A_71 = arith.constant dense<0.000000e+00> : vector<256xf32>
      %reduce_sum3A_72 = vector.multi_reduction <add>, %mul3A_70, %reduce_sum3A_71 [0] : vector<32x256xf32> to vector<256xf32>
      %broadcast_in_dim3A_73 = vector.shape_cast %reduce_sum3A_72 : vector<256xf32> to vector<1x256xf32>
      %div3A_74 = arith.constant 3.200000e+01 : f32
      %div3A_75 = vector.broadcast %div3A_74 : f32 to vector<1x256xf32>
      %div3A_76 = arith.divf %broadcast_in_dim3A_73, %div3A_75 : vector<1x256xf32>
      %get3A_77 = arith.constant 0 : index
      %get3A_78 = vector.load %arg8[%get3A_77] : memref<256xf32, #tpu.memory_space<vmem>>, vector<256xf32>
      %broadcast_in_dim3A_79 = vector.shape_cast %get3A_78 : vector<256xf32> to vector<1x256xf32>
      %sub3A_80 = vector.broadcast %div3A_65 : vector<1x256xf32> to vector<32x256xf32>
      %sub3A_81 = arith.subf %add3A_59, %sub3A_80 : vector<32x256xf32>
      %mul3A_82 = vector.broadcast %broadcast_in_dim3A_79 : vector<1x256xf32> to vector<32x256xf32>
      %mul3A_83 = arith.mulf %mul3A_82, %sub3A_81 : vector<32x256xf32>
      %add3A_84 = arith.constant 9.99999974E-6 : f32
      %add3A_85 = vector.broadcast %add3A_84 : f32 to vector<1x256xf32>
      %add3A_86 = arith.addf %div3A_76, %add3A_85 : vector<1x256xf32>
      %sqrt3A_87 = math.sqrt %add3A_86 : vector<1x256xf32>
      %div3A_88 = vector.broadcast %sqrt3A_87 : vector<1x256xf32> to vector<32x256xf32>
      %div3A_89 = arith.divf %mul3A_83, %div3A_88 : vector<32x256xf32>
      %get3A_90 = arith.constant 0 : index
      %get3A_91 = vector.load %arg9[%get3A_90] : memref<256xf32, #tpu.memory_space<vmem>>, vector<256xf32>
      %broadcast_in_dim3A_92 = vector.shape_cast %get3A_91 : vector<256xf32> to vector<1x256xf32>
      %add3A_93 = vector.broadcast %broadcast_in_dim3A_92 : vector<1x256xf32> to vector<32x256xf32>
      %add3A_94 = arith.addf %div3A_89, %add3A_93 : vector<32x256xf32>
      %max3A_95 = arith.constant 0.000000e+00 : f32
      %max3A_96 = vector.broadcast %max3A_95 : f32 to vector<32x256xf32>
      %max3A_97 = arith.maximumf %add3A_94, %max3A_96 : vector<32x256xf32>
      %get3A_98 = arith.constant 0 : index
      %get3A_99 = arith.constant 0 : index
      %get3A_100 = vector.load %arg10[%get3A_98, %get3A_99] : memref<256x1xf32, #tpu.memory_space<vmem>>, vector<256x1xf32>
      %dot_general3A_101 = arith.constant dense<0.000000e+00> : vector<32x1xf32>
      %dot_general3A_102 = tpu.matmul %max3A_97, %get3A_100, %dot_general3A_101 {dimension_numbers = #tpu.dot_dimension_numbers<[1], [0], [0], [1], [0, 0, 1, 1], [], []>, transpose_lhs_hint = false} : vector<32x256xf32>, vector<256x1xf32>, vector<32x1xf32> -> vector<32x1xf32>
      %get3A_103 = arith.constant 0 : index
      %get3A_104 = vector.load %arg11[%get3A_103] : memref<1xf32, #tpu.memory_space<vmem>>, vector<1xf32>
      %broadcast_in_dim3A_105 = vector.shape_cast %get3A_104 : vector<1xf32> to vector<1x1xf32>
      %add3A_106 = vector.broadcast %broadcast_in_dim3A_105 : vector<1x1xf32> to vector<32x1xf32>
      %add3A_107 = arith.addf %dot_general3A_102, %add3A_106 : vector<32x1xf32>
      %swap3A_108 = arith.constant 0 : index
      %swap3A_109 = arith.constant 0 : index
      %swap3A_110 = vector.load %arg12[%swap3A_108, %swap3A_109] : memref<32x1xf32, #tpu.memory_space<vmem>>, vector<32x1xf32>
      tpu.vector_store %arg12[%swap3A_108, %swap3A_109], %add3A_107 {strides = array<i32>} : memref<32x1xf32, #tpu.memory_space<vmem>>, vector<32x1xf32>,
    } else {
    }
    return
  }
  func.func @transform_0(%arg0: i32) -> (i32, i32) {
    %c0_i32 = arith.constant 0 : i32
    %c0_i32_0 = arith.constant 0 : i32
    %c0_i32_1 = arith.constant 0 : i32
    return %c0_i32, %c0_i32_0 : i32, i32
  }
  func.func @transform_1(%arg0: i32) -> (i32, i32) {
    %c0_i32 = arith.constant 0 : i32
    %c0_i32_0 = arith.constant 0 : i32
    return %c0_i32, %arg0 : i32, i32
  }
  func.func @transform_2(%arg0: i32) -> i32 {
    %c0_i32 = arith.constant 0 : i32
    return %arg0 : i32
  }
  func.func @transform_3(%arg0: i32) -> i32 {
    %c0_i32 = arith.constant 0 : i32
    return %arg0 : i32
  }
  func.func @transform_4(%arg0: i32) -> i32 {
    %c0_i32 = arith.constant 0 : i32
    return %arg0 : i32
  }
  func.func @transform_5(%arg0: i32) -> (i32, i32) {
    %c0_i32 = arith.constant 0 : i32
    %c0_i32_0 = arith.constant 0 : i32
    %c0_i32_1 = arith.constant 0 : i32
    return %c0_i32, %c0_i32_0 : i32, i32
  }
  func.func @transform_6(%arg0: i32) -> i32 {
    %c0_i32 = arith.constant 0 : i32
    %c0_i32_0 = arith.constant 0 : i32
    return %c0_i32 : i32
  }
  func.func @transform_7(%arg0: i32) -> i32 {
    %c0_i32 = arith.constant 0 : i32
    %c0_i32_0 = arith.constant 0 : i32
    return %c0_i32 : i32
  }
  func.func @transform_8(%arg0: i32) -> i32 {
    %c0_i32 = arith.constant 0 : i32
    %c0_i32_0 = arith.constant 0 : i32
    return %c0_i32 : i32
  }
  func.func @transform_9(%arg0: i32) -> (i32, i32) {
    %c0_i32 = arith.constant 0 : i32
    %c0_i32_0 = arith.constant 0 : i32
    %c0_i32_1 = arith.constant 0 : i32
    return %c0_i32, %c0_i32_0 : i32, i32
  }
  func.func @transform_10(%arg0: i32) -> i32 {
    %c0_i32 = arith.constant 0 : i32
    %c0_i32_0 = arith.constant 0 : i32
    return %c0_i32 : i32
  }
  func.func @transform_11(%arg0: i32) -> (i32, i32) {
    %c0_i32 = arith.constant 0 : i32
    %c0_i32_0 = arith.constant 0 : i32
    %c0_i32_1 = arith.constant 0 : i32
    return %c0_i32, %c0_i32_0 : i32, i32
  }
}

module attributes {stable_mosaic.version = 14 : i64} {
  func.func @_scale_body(%arg0: memref<32x50000xf32, #tpu.memory_space<vmem>>, %arg1: memref<8x50000xf32, #tpu.memory_space<vmem>>, %arg2: memref<32x50000xf32, #tpu.memory_space<vmem>>) attributes {dimension_semantics = [], scalar_prefetch = 0 : i64, scratch_operands = 0 : i64, tpu.core_type = #tpu.core_type<tc>} {
    %get3A = arith.constant 0 : index
    %get3A_0 = arith.constant 0 : index
    %get3A_1 = vector.load %arg1[%get3A, %get3A_0] : memref<8x50000xf32, #tpu.memory_space<vmem>>, vector<8x50000xf32>
    %reduce_sum3A = arith.constant dense<0.000000e+00> : vector<50000xf32>
    %reduce_sum3A_2 = vector.multi_reduction <add>, %get3A_1, %reduce_sum3A [0] : vector<8x50000xf32> to vector<50000xf32>
    %broadcast_in_dim3A = vector.shape_cast %reduce_sum3A_2 : vector<50000xf32> to vector<1x50000xf32>
    %div3A = arith.constant 8.000000e+00 : f32
    %div3A_3 = vector.broadcast %div3A : f32 to vector<1x50000xf32>
    %div3A_4 = arith.divf %broadcast_in_dim3A, %div3A_3 : vector<1x50000xf32>
    %get3A_5 = arith.constant 0 : index
    %get3A_6 = arith.constant 0 : index
    %get3A_7 = vector.load %arg0[%get3A_5, %get3A_6] : memref<32x50000xf32, #tpu.memory_space<vmem>>, vector<32x50000xf32>
    %mul3A = vector.broadcast %div3A_4 : vector<1x50000xf32> to vector<32x50000xf32>
    %mul3A_8 = arith.mulf %get3A_7, %mul3A : vector<32x50000xf32>
    %swap3A = arith.constant 0 : index
    %swap3A_9 = arith.constant 0 : index
    %swap3A_10 = vector.load %arg2[%swap3A, %swap3A_9] : memref<32x50000xf32, #tpu.memory_space<vmem>>, vector<32x50000xf32>
    tpu.vector_store %arg2[%swap3A, %swap3A_9], %mul3A_8 {strides = array<i32>} : memref<32x50000xf32, #tpu.memory_space<vmem>>, vector<32x50000xf32>,
    return
  }
}

</mosaic_0001>

<sc_bundles>
// kernel: kernel.5.cloned.1.call-start
scs
__scs_entry_jumppad:
0x0: {  	(pc) =	sbr.rel $0x88, $3  }
0x1: {  	(tag) =	ssettag $0x0;
	lr =	simm.s32 $0x1  }
0x2: {  	[smem:$0x3F93] =	sst lr;
	_ =	strace $0xD0000000  }
0x3: {  	_ = 	snop  }
0x4: {  	_ = 	snop  }
0x5: {  	_ = 	snop  }
0x6: {  	_ = 	snop  }
0x7: {  	_ = 	snop  }
__scs_overlays_trampoline_lowered:
0x8: {  	[smem:$0x3FA2] =	sst s0  }
0x9: {  	[smem:$0x3FA3] =	sst s1  }
0xa: {  	[smem:$0x3FA4] =	sst s2  }
0xb: {  	[smem:$0x3FA5] =	sst s3  }
0xc: {  	[smem:$0x3FA6] =	sst s4  }
0xd: {  	[smem:$0x3FA7] =	sst s5  }
0xe: {  	[smem:$0x3FA8] =	sst s6  }
0xf: {  	[smem:$0x3FA9] =	sst s7  }
0x10: {  	[smem:$0x3FAA] =	sst s8  }
0x11: {  	[smem:$0x3FAB] =	sst s9;
	s0 =	simm.s32 @!p0 $0x0  }
0x12: {  	s1 =	sld [smem:$0x3F91];
	s0 =	simm.s32 @p0 $0x1  }
0x13: {  	[smem:$0x3FAC] =	sst s0;
	s0 =	simm.s32 @!p1 $0x0  }
0x14: {  	s2 =	sld [smem:$0x3F90];
	s0 =	simm.s32 @p1 $0x1  }
0x15: {  	[smem:$0x3FAD] =	sst s0;
	s0 =	simm.s32 @!p2 $0x0  }
0x16: {  	s3 =	sld [smem:$0x3FDB];
	s0 =	simm.s32 @p2 $0x1  }
0x17: {  	s4 =	simm.s32 $0x1BF5;
	[smem:$0x3FAF] =	sst s0  }
0x18: {  	s0 =	sld [smem:$0x3F92];
	_ =	swait.ge [sflag:s4], $0x0  }
0x19: {  	s7 =	sld [smem:$0x3F93]  }
0x1a: {  	s8 =	sadd.s32 $0xFFFFE003, lr  }
0x1b: {  	s9 =	sadd.s32 $0xFFFFFEF7, lr;
	s5 =	simm.s32 $0xFFFFFFFF;
	p2 =	slt.u32 s8, $0xFFFFF086  }
0x1c: {  	p1 =	slt.u32 s9, $0xF7A;
	s5 =	simm.s32 @!p2 $0x0  }
0x1d: {  	s5 =	simm.s32 @p1 $0x1;
	p0 =	seq.s32 s7, s2  }
0x1e: {  	s7 =	smul.u32 @!p0 $0xF7A, s2;
	p2 =	seq.s32 @!p0 s5, $0x0  }
0x1f: {  	s9 =	smul.u32 $0xF7A, s1;
	s8 =	simm.s32 @!p0 $0x1BF5;
	p2 =	por !p2, p0  }
0x20: {  	[sflag:s8] =	ssyncset.s32 @!p0 $0xFFFFF086;
	s6 =	sadd.s32 @!p0 s3, s7;
	s7 =	simm.s32 @!p0 $0x108  }
0x21: {  	s3 =	sadd.s32 s3, s9;
	s6 =	sadd.s32 @!p0 $0x88, s6;
	s7 =	simm.s32 @p2 $0x1082  }
0x22: {  	[simem:s7], [sflag:s8] =	dma.local @!p0 [hbm:s6], $0xF7A  }
0x23: {  	s9 =	sor.u32 $0xD0000000, s2;
	s6 =	simm.s32 $0x108;
	_ =	swait.ge @!p0 [sflag:s8], $0x0  }
0x24: {  	s3 =	sadd.s32 $0x88, s3;
	s6 =	simm.s32 @!p1 $0x1082;
	[sflag:s4] =	ssyncset.s32 $0xFFFFF086  }
0x25: {  	[simem:s6], [sflag:s4] =	dma.local [hbm:s3], $0xF7A  }
0x26: {  	[smem:$0x3F93] =	sst s1;
	(tag) =	ssettag s2;
	_ =	strace s9  }
0x27: {  	s1 =	sld [smem:$0x3FA3]  }
0x28: {  	s2 =	sld [smem:$0x3FA4]  }
0x29: {  	s4 =	sld [smem:$0x3FA6]  }
0x2a: {  	p0 =	seq.s32 s5, $0x0;
	s5 =	sld [smem:$0x3FA7]  }
0x2b: {  	s6 =	sld [smem:$0x3FA8]  }
0x2c: {  	s7 =	sld [smem:$0x3FA9]  }
0x2d: {  	s3 =	simm.s32 $0x108;
	s8 =	sld [smem:$0x3FAA]  }
0x2e: {  	s3 =	simm.s32 @!p0 $0x1082;
	s9 =	sld [smem:$0x3FAB]  }
0x2f: {  	lr =	sadd.s32 s0, s3;
	s0 =	sld [smem:$0x3FA2]  }
0x30: {  	s3 =	sld [smem:$0x3FA5]  }
0x31: {  	[smem:$0x3FAE] =	sst s10  }
0x32: {  	s10 =	sld [smem:$0x3FAC];
	_ =	sdelay $0x3  }
0x33: {  	p0 =	seq.s32 s10, $0x1;
	s10 =	sld [smem:$0x3FAE];
	_ =	sdelay $0x3  }
0x34: {  	[smem:$0x3FAE] =	sst s10  }
0x35: {  	s10 =	sld [smem:$0x3FAD];
	_ =	sdelay $0x3  }
0x36: {  	p1 =	seq.s32 s10, $0x1;
	s10 =	sld [smem:$0x3FAE];
	_ =	sdelay $0x3  }
0x37: {  	[smem:$0x3FAE] =	sst s10  }
0x38: {  	s10 =	sld [smem:$0x3FAF]  }
0x39: {  	_ = 	snop;
	(pc) =	sbr.ind lr, $3  }
0x3a: {  	_ = 	snop  }
0x3b: {  	_ = 	snop  }
0x3c: {  	p2 =	seq.s32 s10, $0x1;
	s10 =	sld [smem:$0x3FAE]  }
0x3d: {  	_ =	shalt  }
0x3e: {  	_ =	shalt  }
0x3f: {  	_ =	shalt  }
0x40: {  	_ =	shalt  }
0x41: {  	_ =	shalt  }
0x42: {  	_ =	shalt  }
0x43: {  	_ =	shalt  }
0x44: {  	_ =	shalt  }
0x45: {  	_ =	shalt  }
0x46: {  	_ =	shalt  }
0x47: {  	_ =	shalt  }
0x48: {  	_ =	shalt  }
0x49: {  	_ =	shalt  }
0x4a: {  	_ =	shalt  }
0x4b: {  	_ =	shalt  }
0x4c: {  	_ =	shalt  }
0x4d: {  	_ =	shalt  }
0x4e: {  	_ =	shalt  }
0x4f: {  	_ =	shalt  }
0x50: {  	_ =	shalt  }
0x51: {  	_ =	shalt  }
0x52: {  	_ =	shalt  }
0x53: {  	_ =	shalt  }
0x54: {  	_ =	shalt  }
0x55: {  	_ =	shalt  }
0x56: {  	_ =	shalt  }
0x57: {  	_ =	shalt  }
0x58: {  	_ =	shalt  }
0x59: {  	_ =	shalt  }
0x5a: {  	_ =	shalt  }
0x5b: {  	_ =	shalt  }
0x5c: {  	_ =	shalt  }
0x5d: {  	_ =	shalt  }
0x5e: {  	_ =	shalt  }
0x5f: {  	_ =	shalt  }
0x60: {  	_ =	shalt  }
0x61: {  	_ =	shalt  }
0x62: {  	_ =	shalt  }
0x63: {  	_ =	shalt  }
0x64: {  	_ =	shalt  }
0x65: {  	_ =	shalt  }
0x66: {  	_ =	shalt  }
0x67: {  	_ =	shalt  }
0x68: {  	_ =	shalt  }
0x69: {  	_ =	shalt  }
0x6a: {  	_ =	shalt  }
0x6b: {  	_ =	shalt  }
0x6c: {  	_ =	shalt  }
0x6d: {  	_ =	shalt  }
0x6e: {  	_ =	shalt  }
0x6f: {  	_ =	shalt  }
0x70: {  	_ =	shalt  }
0x71: {  	_ =	shalt  }
0x72: {  	_ =	shalt  }
0x73: {  	_ =	shalt  }
0x74: {  	_ =	shalt  }
0x75: {  	_ =	shalt  }
0x76: {  	_ =	shalt  }
0x77: {  	_ =	shalt  }
0x78: {  	_ =	shalt  }
0x79: {  	_ =	shalt  }
0x7a: {  	_ =	shalt  }
0x7b: {  	_ =	shalt  }
0x7c: {  	_ =	shalt  }
0x7d: {  	_ =	shalt  }
0x7e: {  	_ =	shalt  }
0x7f: {  	_ =	shalt  }
0x80: {  	_ =	shalt  }
0x81: {  	_ =	shalt  }
0x82: {  	_ =	shalt  }
0x83: {  	_ =	shalt  }
0x84: {  	_ =	shalt  }
0x85: {  	_ =	shalt  }
0x86: {  	_ =	shalt  }
0x87: {  	_ =	shalt  }
.Lfunc_end0:
.L_simem_size_0:
called_computation_lowered:
.L_overlay_start_0:
0x88: {  	s2 =	sld [smem:$0x3FD9]  }
0x89: {  	s3 =	sld [smem:$0x3FFE];
	_ =	sdelay $0x1  }
0x8a: {  	s1 =	srdreg.scid  }
0x8b: {  	s0 =	sand.u32 $0x1, s1  }
0x8c: {  	s14 =	sshll.u32 s0, $0xA;
	s2 =	sadd.s32 s3, s2  }
0x8d: {  	s2 =	sadd.s32 s2, s14  }
0x8e: {  	[smem:$0x3FBA] =	sst s2  }
0x8f: {  	_ = 	snop  }
0x90: {  	s2 =	sld [smem:$0x3FD0];
	_ =	sdelay $0x1  }
0x91: {  	s15 =	sld [smem:$0x3FC8]  }
0x92: {  	s5 =	simm.s32 $0xA;
	s6 =	simm.s32 $0x10;
	s4 =	sld [smem:$0x3FC7]  }
0x93: {  	[smem:s6], [sflag:s5] =	dma.local [hbm:s2], $0x1  }
0x94: {  	_ =	swait.eq [sflag:s5], $0x1  }
0x95: {  	[sflag:s5] =	ssyncset.done $0x0  }
0x96: {  	[sflag:s5] =	ssyncadd.s32 $0xFFFFFFFF  }
0x97: {  	s16 =	sld [smem:$0x11];
	(tm) =	ssettm $0x1  }
0x98: {  	s17 =	sld [smem:$0x3FFB];
	_ =	sdelay $0x3  }
0x99: {  	_ =	strace s17  }
0x9a: {  	s5 =	sld [smem:$0x3FFC];
	_ =	sdelay $0x3  }
0x9b: {  	_ =	strace s5  }
0x9c: {  	s5 =	sld [smem:$0x3FFD];
	_ =	sdelay $0x3  }
0x9d: {  	_ =	strace s5  }
0x9e: {  	_ =	strace $0x8FFFFFFF  }
0x9f: {  	s18 =	sld [smem:$0x3FDB];
	_ =	sdelay $0x1  }
0xa0: {  	s19 =	simm.s32 $_scs_section_size  }
0xa1: {  	s7 =	simm.s32 $_size__tile_overlayer_lowered;
	s8 =	simm.s32 $_tile_overlayer_lowered  }
0xa2: {  	s22 =	simm.s32 $0x1BFF;
	s21 =	sshll.u32 s8, $0x1;
	s5 =	sadd.s32 s19, s18  }
0xa3: {  	s9 =	simm.s32 $0x0;
	s20 =	sshll.u32 s7, $0x1;
	s7 =	sadd.s32 s21, s5  }
0xa4: {  	[timem:s9], [sflag:s22] =	dma.local [hbm:s7], s20  }
0xa5: {  	_ =	swait.ge [sflag:s22], s20  }
0xa6: {  	s6 =	ssub.s32 $0x0, s20;
	[sflag:s22] =	ssyncset.done $0x0  }
0xa7: {  	[sflag:s22] =	ssyncadd.s32 s6;
	_ =	sdelay $0x1  }
0xa8: {  	s23 =	simm.s32 $0x1B8B  }
0xa9: {  	_ =	swait.ge [sflag:s23], $0x1  }
0xaa: {  	[sflag:s23] =	ssyncset.done $0x0  }
0xab: {  	s25 =	simm.s32 $0x1B8E;
	s24 =	sld [smem:$0x3FFE];
	[sflag:s23] =	ssyncadd.s32 $0xFFFFFFFF  }
0xac: {  	s26 =	simm.s32 $execute0_lowered;
	[smem:$0x3FD2] =	sst s25  }
0xad: {  	s7 =	sshll.u32 s26, $0x1;
	_ =	strace $0x80000046;
	[dreg:$0x1] =	wrdreg $0xFFFFFFFF  }
0xae: {  	s28 =	simm.s32 $_size_execute0_lowered;
	s5 =	sadd.s32 s5, s7;
	[dreg:$0x0] =	wrdreg $0x0  }
0xaf: {  	s7 =	sshll.u32 s28, $0x1;
	[dreg:$0x2] =	wrdreg s5  }
0xb0: {  	[dreg:$0x3] =	wrdreg s7  }
0xb1: {  	[dreg:$0x4] =	wrdreg $0xC0  }
0xb2: {  	_ =	task [dreg:s9], $0x5FFFF  }
0xb3: {  	[dreg:$0x1] =	wrdreg $0xFFFFFFFF  }
0xb4: {  	[dreg:$0x0] =	wrdreg $0x60  }
0xb5: {  	[dreg:$0x2] =	wrdreg s24  }
0xb6: {  	[dreg:$0x3] =	wrdreg s15  }
0xb7: {  	[dreg:$0x4] =	wrdreg s4  }
0xb8: {  	[dreg:$0x5] =	wrdreg s16  }
0xb9: {  	[dreg:$0x6] =	wrdreg $0x9  }
0xba: {  	_ =	task.clear_ibuf [dreg:s9], $0x7FFFF;
	_ =	strace $0x90000046  }
0xbb: {  	s29 =	simm.s32 $0x9;
	_ =	strace $0x80000048  }
0xbc: {  	_ =	swait.ge [sflag:s29], $0x1  }
0xbd: {  	[sflag:s29] =	ssyncadd.s32 $0xFFFFFFFF  }
0xbe: {  	_ =	strace $0x90000048  }
0xbf: {  	_ =	sfence  }
0xc0: {  	s30 =	sld [smem:$0x0];
	_ =	sdelay $0x2  }
0xc1: {  	s31 =	sshll.u32 s1, $0xD;
	s1 =	sshrl.u32 s1, $0x2  }
0xc2: {  	s3 =	sand.u32 $0x4000, s31;
	s1 =	sadd.s32 s1, s30  }
0xc3: {  	s0 =	sor.u32 s3, s0;
	s1 =	sshll.u32 s1, $0x11  }
0xc4: {  	s0 =	sor.u32 s1, s0  }
0xc5: {  	s0 =	sadd.s32 $0x8F2B, s0  }
0xc6: {  	[sflag:s0] =	ssyncadd.remote.s32 $0x1  }
0xc7: {  	_ =	sfence.sel $0xFFFF  }
0xc8: {  	[dreg:$0x0] =	wrdreg $0xFFFFFFFF;
	(pc) =	sbr.abs _section_cstart, $3  }
0xc9: {  	[dreg:$0x1] =	wrdreg $0xFFFFFFFF  }
0xca: {  	_ =	task.clear_ibuf [dreg:s9], $0x2FFFF;
	_ =	strace $0x9FFFFFFF  }
0xcb: {  	(tm) =	ssettm $0x7FFFFFFF  }
tec
execute0_lowered:
.L_overlay_start_1:
0x0: {  	(tag) =	ssettag $0x1  }
0x1: {  	s5 =	rddreg [dreg:$0x0]  }
0x2: {  	s1 =	rddreg [dreg:$0x1]  }
0x3: {  	s2 =	rddreg [dreg:$0x2]  }
0x4: {  	s8 =	rddreg [dreg:$0x3]  }
0x5: {  	s0 =	rddreg [dreg:$0x4];
	s4 =	simm.s32 $0x0  }
0x6: {  	s6 =	srdreg.scid;
	s3 =	stileid.u32;
	s12 =	simm.s32 $0x10A80  }
0x7: {  	s13 =	simm.s32 $0x14990;
	s14 =	simm.s32 $0x80;
	s15 =	simm.s32 $0x400  }
0x8: {  	s16 =	simm.s32 $0x5;
	s17 =	simm.s32 $0x1;
	s18 =	simm.s32 $0x3  }
0x9: {  	s19 =	simm.s32 $0xC380;
	s20 =	simm.s32 $0x2;
	s21 =	simm.s32 $0x4  }
0xa: {  	v0 =	vimm.s32 $0x65432100;
	v1 =	vimm.s32 $0xEDCBA987;
	s22 =	simm.s32 $0x0;
	s6 =	sand.u32 $0x1, s6;
	s7 =	sshrl.u32 s3, $0x2  }
0xb: {  	v2 =	vimm.s32 $0xFFEDCBA9;
	v3 =	vimm.s32 $0x87654321;
	s9 =	sshll.u32 s3, $0x8;
	[smem:$0x7FF] =	sst s4;
	s10 =	sshll.u32 s6, $0x7  }
0xc: {  	v1 =	vunpack.c.l.s4.s8 v1;
	v2 =	vunpack.c.l.s4.s8 v2;
	v3 =	vunpack.c.l.s4.s8 v3;
	s9 =	sand.u32 $0x300, s9;
	s11 =	smul.u32 $0x61C00, s7;
	_ =	strace $0x80000047  }
0xd: {  	v0 =	vunpack.c.l.s4.s8 v0;
	s6 =	ssub.s32 $0x2, s6;
	s7 =	smul.u32 $0x13C00, s7;
	s9 =	sor.u32 s10, s9  }
.Ltmp0:
0xe: {  	s30 =	sshrl.u32 s6, $0x1;
	v1 =	vunpack.c.0.s8.s32 v1;
	v2 =	vunpack.c.0.s8.s32 v2;
	v3 =	vunpack.c.0.s8.s32 v3;
	s10 =	sor.u32 s11, s9;
	(pc) =	sbr.rel .LBB2_1-.Ltmp0, $4  }
0xf: {  	v4 =	vunpack.c.0.s8.s32 v0;
	s31 =	ssub.s32 s6, s30;
	s9 =	sor.u32 s7, s9;
	s6 =	sadd.s32 $0x3E8, s2  }
0x10: {  	s11 =	simm.s32 $0x12A10;
	s10 =	sshrl.u32 s10, $0x3;
	s9 =	sshrl.u32 s9, $0x3;
	v5 =	vand.u32 $0xF, v1;
	v0 =	vcombine.low v3, v2  }
0x11: {  	vm0 =	vcmask $0x3F3C;
	s10 =	sadd.s32 s10, s5;
	s5 =	sadd.s32 $0x3E8, s1;
	s8 =	sadd.s32 s8, s9;
	v2 =	vcombine.low v4, v5;
	v4 =	vlaneseq.u32  }
0x12: {  	v1 =	vimm.f32 $0.0e+00;
	s9 =	smax.u32 s31, $0x1;
	s7 =	sadd.s32 $0x1C00, s10;
	s10 =	simm.s32 $0xEB00;
	v3 =	vand.u32 $0xF, v0;
	v4 =	vor.u32 $0x80000000, v4  }
.LBB2_14:
0x13: {  	s22 =	sadd.s32 $0x1, s22  }
0x14: {  	p0 =	sne.s32 s22, s9  }
.Ltmp1:
0x15: {  	_ = 	snop;
	(pc) =	sbr.rel @!p0 .LBB2_15-.Ltmp1, $4  }
0x16: {  	[hbm4b:s8+s14] =	stream.strided.scatter [tilespmem:s19], [sflag:$0x5], $0x2780, s15, s14, $0x38;
	[tilespmem:$0x16900] =	vst v63  }
0x17: {  	_ =	swait.ge [sflag:s16], $0x2780  }
0x18: {  	[sflag:s16] =	ssyncset.done $0x0  }
0x19: {  	[sflag:s16] =	ssyncadd.s32 $0xFFFFD880  }
.LBB2_1:
0x1a: {  	[tilespmem:s10], [sflag:$0x1] =	stream.linear.gather [hbm4b:s1+s4], $0x1F40, $0x38;
	[tilespmem:$0x16900] =	vst v63  }
0x1b: {  	_ = 	snop  }
0x1c: {  	[tilespmem:s11], [sflag:$0x3] =	stream.linear.gather [hbm4b:s2+s4], $0x1F40, $0x38;
	[tilespmem:$0x16900] =	vst v63  }
0x1d: {  	_ = 	snop  }
0x1e: {  	[tilespmem:s12], [sflag:$0x2] =	stream.linear.gather [hbm4b:s5+s4], $0x1F40, $0x38;
	[tilespmem:$0x16900] =	vst v63  }
0x1f: {  	_ = 	snop  }
0x20: {  	[tilespmem:s13], [sflag:$0x4] =	stream.linear.gather [hbm4b:s6+s4], $0x1F40, $0x38;
	[tilespmem:$0x16900] =	vst v63  }
0x21: {  	_ = 	snop  }
0x22: {  	[tilespmem:s4], [sflag:$0x5] =	stream.strided.gather [hbm4b:s7+s14], $0xC380, s15, s14, $0x38;
	[tilespmem:$0x16900] =	vst v63  }
0x23: {  	_ =	swait.ge [sflag:s16], $0xC380  }
0x24: {  	[sflag:s16] =	ssyncset.done $0x0  }
0x25: {  	s23 =	simm.s32 $0x0;
	[sflag:s16] =	ssyncadd.s32 $0xFFFF3C80  }
.LBB2_2:
0x26: {  	p0 =	sne.s32 s23, $0x9C00  }
.Ltmp2:
0x27: {  	_ = 	snop;
	(pc) =	sbr.rel @p0 .LBB2_2-.Ltmp2, $3  }
0x28: {  	_ =	sdelay $0x1  }
0x29: {  	s24 =	sshra.s32 s23, $0x2  }
0x2a: {  	s23 =	sadd.s32 $0x40, s23;
	[tilespmem:s24+$0xC380] =	vst v1  }
0x2b: {  	s23 =	simm.s32 $0x0;
	s24 =	simm.s32 $0x0  }
.LBB2_4:
0x2c: {  	_ =	swait.ge [sflag:s17], $0x1F40  }
0x2d: {  	[sflag:s17] =	ssyncset.done $0x0  }
0x2e: {  	[sflag:s17] =	ssyncadd.s32 $0xFFFFE0C0  }
0x2f: {  	_ =	swait.ge [sflag:s18], $0x1F40  }
0x30: {  	[sflag:s18] =	ssyncset.done $0x0  }
0x31: {  	s26 =	simm.s32 $0xEB40;
	[sflag:s18] =	ssyncadd.s32 $0xFFFFE0C0  }
0x32: {  	s25 =	simm.s32 $0x12A40;
	v5 =	vld [tilespmem:s26+$0x20]  }
0x33: {  	v13 =	vld [tilespmem:s25+$0x20]  }
0x34: {  	v9 =	vld [tilespmem:s25+$0x30];
	_ =	sdelay $0x1  }
0x35: {  	v6 =	vld [tilespmem:s26+$0x10]  }
0x36: {  	v16 =	vld [tilespmem:s25+$0x40]  }
0x37: {  	v7 =	vld [tilespmem:s26+$0xFFFFFFF0];
	v8 =	vperm.xlane v13, v2  }
0x38: {  	v15 =	vld [tilespmem:s25+$0x10];
	v10 =	vperm.xlane v9, v2  }
0x39: {  	vm1 =	veq.s32 v13, v8;
	v5 =	vld.idx.msk [tilespmem:v5+s23+$0x0], $0xffff  }
0x3a: {  	v8 =	vsel vm1, $0x80000000, v4;
	vm1 =	veq.s32 v9, v10;
	v10 =	vld [tilespmem:s26+$0x30]  }
0x3b: {  	v17 =	vld [tilespmem:s25+$0x0]  }
0x3c: {  	v11 =	vld [tilespmem:s26+$0x0]  }
0x3d: {  	(xrf0) =	vmax.scan.msk.u32 $0xffff, v8;
	v8 =	vperm.xlane v16, v2  }
0x3e: {  	v20 =	vld [tilespmem:s26+$0xFFFFFFC0];
	v12 =	vsel vm1, $0x80000000, v4;
	(xrf2) =	vadd.scan.msk.f32 $0xffff, v5;
	v5 =	vperm.xlane v15, v2  }
0x3f: {  	v25 =	vld [tilespmem:s26+$0xFFFFFFD0];
	(xrf0) =	vmax.scan.msk.u32 $0xffff, v12;
	vm1 =	veq.s32 v16, v8  }
0x40: {  	v18 =	vperm.xlane v17, v2;
	v7 =	vld.idx.msk [tilespmem:v7+s23+$0x0], $0xffff;
	v8 =	vsel vm1, $0x80000000, v4;
	vm1 =	veq.s32 v15, v5  }
0x41: {  	v6 =	vld.idx.msk [tilespmem:v6+s23+$0x0], $0xffff;
	v12 =	vperm.xlane v13, v3;
	(xrf0) =	vmax.scan.msk.u32 $0xffff, v8;
	v5 =	vperm.xlane v9, v3;
	v8 =	vsel vm1, $0x80000000, v4  }
0x42: {  	v14 =	vperm.xlane v16, v3;
	v10 =	vld.idx.msk [tilespmem:v10+s23+$0x0], $0xffff  }
0x43: {  	vm3 =	veq.s32 v17, v18;
	(xrf0) =	vmax.scan.msk.u32 $0xffff, v8;
	vm1 =	vne.s32 v9, v5;
	v5 =	vld [tilespmem:s26+$0xFFFFFFE0]  }
0x44: {  	vm5 =	vne.s32 v16, v14;
	v11 =	vld.idx.msk [tilespmem:v11+s23+$0x0], $0xffff;
	v22 =	vsel vm3, $0x80000000, v4;
	v8, _, _ =	vpop (xrf0)  }
0x45: {  	vm7 =	vmor vm5, vm0;
	vm2 =	vne.s32 v13, v12;
	(xrf2) =	vadd.scan.msk.f32 $0xffff, v7;
	v7 =	vperm.xlane v15, v3;
	v12, _, _ =	vpop (xrf0)  }
0x46: {  	v18 =	vld [tilespmem:s25+$0xFFFFFFE0];
	(xrf2) =	vadd.scan.msk.f32 $0xffff, v6;
	vm1 =	vmor vm1, vm0;
	v14 =	vadd.s32 $0x7FFFFFFF, v8;
	v19 =	vadd.s32 $0x7FFFFFFF, v12  }
0x47: {  	vm11 =	vgt.u32 v8, $0x80000000;
	v21, _, _ =	vpop (xrf0);
	vm3 =	vgt.s32 v14, $0x0;
	(xrf0) =	vmax.scan.msk.u32 $0xffff, v22;
	vm4 =	vgt.s32 v19, $0x0  }
0x48: {  	v25 =	vld.idx.msk [tilespmem:v25+s23+$0x0], $0xffff;
	(xrf2) =	vadd.scan.msk.f32 $0xffff, v10;
	v23 =	vadd.s32 $0x7FFFFFFF, v21;
	v14 =	vnsel vm3, $0x0, v14;
	v6 =	vnsel vm4, $0x0, v19;
	v24, _, _ =	vpop (xrf2)  }
0x49: {  	(xrf2) =	vadd.scan.msk.f32 $0xffff, v11;
	v11 =	vld.idx.msk [tilespmem:v20+s23+$0x0], $0xffff;
	vm3 =	vgt.s32 v23, $0x0;
	v22, _, _ =	vpop (xrf0);
	vm4 =	vgt.u32 v12, $0x80000000;
	v12 =	vperm.xlane v17, v3  }
0x4a: {  	v19 =	vld [tilespmem:s25+$0xFFFFFFF0];
	v6 =	vperm.xlane v24, v6;
	v26 =	vadd.s32 $0x7FFFFFFF, v22;
	v10 =	vnsel vm3, $0x0, v23  }
0x4b: {  	s30 =	simm.s32 $0x12AC0;
	vm3 =	vgt.u32 v21, $0x80000000;
	v21 =	vperm.xlane v18, v3;
	vm9 =	vgt.u32 v22, $0x80000000;
	v20 =	vld.idx.msk [tilespmem:v5+s23+$0x0], $0xffff  }
0x4c: {  	vm6 =	vgt.s32 v26, $0x0;
	vm8 =	vne.s32 v17, v12;
	v5 =	vld [tilespmem:s30+$0x20];
	v6 =	vnsel vm4, $0x0, v6  }
0x4d: {  	s31 =	simm.s32 $0xEBC0;
	v12 =	vperm.xlane v18, v2;
	v23 =	vnsel vm6, $0x0, v26;
	v26 =	vsub.f32 v24, v6;
	v6 =	vld [tilespmem:s25+$0xFFFFFFD0]  }
0x4e: {  	v22 =	vld [tilespmem:s31+$0x20];
	vm4 =	vne.s32 v15, v7;
	vm6 =	vne.s32 v18, v21;
	vm8 =	vmor vm8, vm0;
	v28, _, _ =	vpop (xrf0)  }
0x4f: {  	v7 =	vld [tilespmem:s30+$0x30];
	vm4 =	vmor vm4, vm0;
	vm10 =	veq.s32 v18, v12;
	v24 =	vadd.s32 $0x7FFFFFFF, v28  }
0x50: {  	v27 =	vperm.xlane v19, v3;
	v12 =	vperm.xlane v19, v2;
	vm5 =	vgt.s32 v24, $0x0;
	[tilespmem:v9+s19+$0x0] =	vst.idx.add.f32.msk vm1, v26  }
0x51: {  	v29, _, _ =	vpop (xrf2);
	v9 =	vld [tilespmem:s30+$0x10];
	v21 =	vnsel vm5, $0x0, v24;
	vm5 =	vmor vm6, vm0;
	(xrf2) =	vadd.scan.msk.f32 $0xffff, v20;
	v20 =	vperm.xlane v5, v2  }
0x52: {  	vm6 =	vmor vm2, vm0;
	v24, _, _ =	vpop (xrf2);
	v21 =	vperm.xlane v29, v21;
	v30 =	vperm.xlane v6, v2  }
0x53: {  	vm13 =	vne.s32 v19, v27;
	(xrf2) =	vadd.scan.msk.f32 $0xffff, v11;
	v14 =	vperm.xlane v24, v14;
	v11, _, _ =	vpop (xrf2);
	v32 =	vperm.xlane v6, v3  }
0x54: {  	v35 =	vld [tilespmem:s31+$0xFFFFFFF0];
	v10 =	vperm.xlane v11, v10;
	vm2 =	veq.s32 v6, v30;
	v30 =	vsel vm10, $0x80000000, v4  }
0x55: {  	v31 =	vld [tilespmem:s31+$0xFFFFFFC0];
	vm10 =	veq.s32 v19, v12;
	v12 =	vperm.xlane v7, v2;
	v33 =	vnsel vm11, $0x0, v14  }
0x56: {  	v8 =	vld [tilespmem:s30+$0x40];
	(xrf2) =	vadd.scan.msk.f32 $0xffff, v25;
	vm11 =	veq.s32 v5, v20;
	v14 =	vperm.xlane v7, v3;
	v40 =	vperm.xlane v9, v3  }
0x57: {  	v34 =	vld [tilespmem:s31+$0x10];
	(xrf0) =	vmax.scan.msk.u32 $0xffff, v30;
	v20 =	vsel vm10, $0x80000000, v4;
	v25 =	vsel vm11, $0x80000000, v4;
	v10 =	vnsel vm3, $0x0, v10  }
0x58: {  	vm10 =	veq.s32 v7, v12;
	v26 =	vsub.f32 v11, v10;
	v10 =	vld.idx.msk [tilespmem:v22+s23+$0x0], $0xffff;
	v11 =	vperm.xlane v5, v3;
	v30, _, _ =	vpop (xrf2)  }
0x59: {  	(xrf0) =	vmax.scan.msk.u32 $0xffff, v20;
	v12 =	vsel vm2, $0x80000000, v4;
	vm2 =	vne.s32 v6, v32;
	v20 =	vld [tilespmem:s31+$0x0];
	v23 =	vperm.xlane v30, v23  }
0x5a: {  	vm3 =	vgt.u32 v28, $0x80000000;
	vm1 =	vmor vm2, vm0;
	vm2 =	vne.s32 v5, v11;
	v11 =	vld [tilespmem:s30+$0x0]  }
0x5b: {  	v58 =	vld [tilespmem:s31+$0x30];
	v22 =	vperm.xlane v8, v3;
	v21 =	vnsel vm3, $0x0, v21;
	v23 =	vnsel vm9, $0x0, v23  }
0x5c: {  	v35 =	vld.idx.msk [tilespmem:v35+s23+$0x0], $0xffff;
	(xrf0) =	vmax.scan.msk.u32 $0xffff, v25;
	v25 =	vsel vm10, $0x80000000, v4;
	v21 =	vsub.f32 v29, v21;
	v29 =	vperm.xlane v9, v2  }
0x5d: {  	[tilespmem:v16+s19+$0x0] =	vst.idx.add.f32.msk vm7, v26;
	v28 =	vsub.f32 v30, v23;
	v30 =	vperm.xlane v8, v2;
	(xrf2) =	vadd.scan.msk.f32 $0xffff, v10  }
0x5e: {  	vm3 =	vne.s32 v8, v22;
	[tilespmem:v17+s19+$0x0] =	vst.idx.add.f32.msk vm8, v21;
	vm9 =	vne.s32 v7, v14;
	v23, _, _ =	vpop (xrf0);
	(xrf0) =	vmax.scan.msk.u32 $0xffff, v25  }
0x5f: {  	v37, _, _ =	vpop (xrf2);
	vm11 =	veq.s32 v8, v30;
	[tilespmem:v15+s19+$0x0] =	vst.idx.add.f32.msk vm4, v28;
	vm4 =	vmor vm9, vm0;
	v17 =	vperm.xlane v11, v3  }
0x60: {  	v25 =	vld [tilespmem:s31+$0xFFFFFFD0];
	v22 =	vadd.s32 $0x7FFFFFFF, v23;
	v36, _, _ =	vpop (xrf0);
	vm10 =	vgt.u32 v23, $0x80000000;
	v23 =	vsel vm11, $0x80000000, v4  }
0x61: {  	v14, _, _ =	vpop (xrf2);
	(xrf0) =	vmax.scan.msk.u32 $0xffff, v12;
	v41 =	vld.idx.msk [tilespmem:v20+s23+$0x0], $0xffff;
	v20 =	vperm.xlane v11, v2;
	vm12 =	vgt.s32 v22, $0x0;
	v59 =	vadd.s32 $0x7FFFFFFF, v36  }
0x62: {  	v60 =	vld [tilespmem:s31+$0xFFFFFFE0];
	v12, _, _ =	vpop (xrf0);
	(xrf0) =	vmax.scan.msk.u32 $0xffff, v23;
	vm11 =	vgt.s32 v59, $0x0;
	v22 =	vnsel vm12, $0x0, v22;
	vm12 =	veq.s32 v9, v29  }
0x63: {  	v39, _, _ =	vpop (xrf2);
	v30 =	vld.idx.msk [tilespmem:v34+s23+$0x0], $0xffff;
	v38 =	vadd.s32 $0x7FFFFFFF, v12;
	v23 =	vnsel vm11, $0x0, v59;
	v27 =	vsel vm12, $0x80000000, v4  }
0x64: {  	v32 =	vld.idx.msk [tilespmem:v58+s23+$0x0], $0xffff;
	vm11 =	vgt.u32 v36, $0x80000000;
	v22 =	vperm.xlane v39, v22;
	vm12 =	vgt.s32 v38, $0x0;
	v61, _, _ =	vpop (xrf0);
	(xrf0) =	vmax.scan.msk.u32 $0xffff, v27  }
0x65: {  	(xrf2) =	vadd.scan.msk.f32 $0xffff, v35;
	v29 =	vperm.xlane v37, v23;
	v16 =	vnsel vm12, $0x0, v38;
	v62 =	vadd.s32 $0x7FFFFFFF, v61  }
0x66: {  	v22 =	vnsel vm10, $0x0, v22;
	vm10 =	vmor vm13, vm0;
	vm12 =	vgt.s32 v62, $0x0  }
0x67: {  	v10 =	vld [tilespmem:s30+$0xFFFFFFE0];
	v26, _, _ =	vpop (xrf0);
	v63 =	vsub.f32 v39, v22;
	v29 =	vnsel vm11, $0x0, v29;
	v27 =	vnsel vm12, $0x0, v62  }
0x68: {  	v23 =	vld.idx.msk [tilespmem:v31+s23+$0x0], $0xffff;
	(xrf2) =	vadd.scan.msk.f32 $0xffff, v30;
	vm8 =	vgt.u32 v61, $0x80000000;
	vm7 =	vgt.u32 v26, $0x80000000;
	v31, _, _ =	vpop (xrf0);
	vm12 =	veq.s32 v11, v20  }
0x69: {  	v22 =	vld.idx.msk [tilespmem:v25+s23+$0x0], $0xffff;
	v25 =	vadd.s32 $0x7FFFFFFF, v26;
	v26, _, _ =	vpop (xrf2);
	v29 =	vsub.f32 v37, v29;
	(xrf2) =	vadd.scan.msk.f32 $0xffff, v32;
	v15 =	vsel vm12, $0x80000000, v4  }
0x6a: {  	v21 =	vld [tilespmem:s30+$0xFFFFFFF0];
	v20 =	vadd.s32 $0x7FFFFFFF, v31;
	vm9 =	vgt.s32 v25, $0x0;
	v30 =	vperm.xlane v26, v27;
	v27, _, _ =	vpop (xrf0);
	(xrf0) =	vmax.scan.msk.u32 $0xffff, v15  }
0x6b: {  	[tilespmem:v18+s19+$0x0] =	vst.idx.add.f32.msk vm5, v63;
	vm5 =	vne.s32 v11, v17;
	vm11 =	vgt.s32 v20, $0x0;
	v25 =	vnsel vm9, $0x0, v25  }
0x6c: {  	v28 =	vld.idx.msk [tilespmem:v60+s23+$0x0], $0xffff;
	v18 =	vperm.xlane v14, v25;
	v30 =	vnsel vm8, $0x0, v30;
	v15 =	vadd.s32 $0x7FFFFFFF, v27  }
0x6d: {  	v20 =	vnsel vm11, $0x0, v20;
	[tilespmem:v19+s19+$0x0] =	vst.idx.add.f32.msk vm10, v29;
	v29 =	vsub.f32 v24, v33;
	v19 =	vsub.f32 v26, v30  }
0x6e: {  	(xrf2) =	vadd.scan.msk.f32 $0xffff, v41;
	v24 =	vld [tilespmem:s30+$0xFFFFFFD0];
	v17 =	vnsel vm7, $0x0, v18;
	v18 =	vperm.xlane v10, v2;
	vm9 =	vgt.s32 v15, $0x0  }
0x6f: {  	s28 =	simm.s32 $0xEC40;
	s29 =	simm.s32 $0x12B40;
	s26 =	simm.s32 $0x8;
	vm7 =	vne.s32 v9, v40;
	[tilespmem:v13+s19+$0x0] =	vst.idx.add.f32.msk vm6, v29;
	v25 =	vnsel vm9, $0x0, v15;
	vm9 =	vgt.u32 v31, $0x80000000;
	v15, _, _ =	vpop (xrf2)  }
.LBB2_5:
0x70: {  	v13 =	vld [tilespmem:s29+$0x20];
	s26 =	sadd.s32 $0x8, s26;
	v29 =	vperm.xlane v10, v3;
	v26 =	vperm.xlane v21, v3;
	v30, _, _ =	vpop (xrf0);
	v14 =	vsub.f32 v14, v17  }
0x71: {  	vm8 =	vmor vm7, vm0;
	vm10 =	vmor vm3, vm0;
	v17 =	vmovc v21;
	v31 =	vld [tilespmem:s29+$0x30];
	p0 =	slt.u32 s26, $0x1E8;
	v32 =	vadd.s32 $0x7FFFFFFF, v30;
	(xrf2) =	vadd.scan.msk.f32 $0xffff, v28  }
0x72: {  	vm3 =	veq.s32 v10, v18;
	v21 =	vperm.xlane v17, v2;
	vm6 =	vgt.s32 v32, $0x0;
	v18, _, _ =	vpop (xrf2);
	[tilespmem:v6+s19+$0x0] =	vst.idx.add.f32.msk vm1, v14  }
0x73: {  	vm1 =	vne.s32 v10, v29;
	v14 =	vld [tilespmem:s28+$0x20];
	v28 =	vperm.xlane v24, v2;
	v29 =	vnsel vm6, $0x0, v32;
	v6 =	vmovc v24  }
0x74: {  	vm7 =	vmor vm1, vm0;
	vm1 =	vgt.u32 v27, $0x80000000;
	vm6 =	vmor vm2, vm0;
	v32 =	vld [tilespmem:s28+$0xFFFFFFC0];
	(xrf2) =	vadd.scan.msk.f32 $0xffff, v23  }
0x75: {  	v24 =	vsel vm3, $0x80000000, v4;
	v16 =	vperm.xlane v18, v16;
	v23 =	vld [tilespmem:s28+$0x0];
	vm2 =	veq.s32 v6, v28;
	v27, _, _ =	vpop (xrf2)  }
0x76: {  	vm11 =	vgt.u32 v12, $0x80000000;
	vm3 =	veq.s32 v17, v21;
	v28 =	vperm.xlane v13, v2;
	v33 =	vld [tilespmem:s28+$0x30];
	(xrf0) =	vmax.scan.msk.u32 $0xffff, v24  }
0x77: {  	v34 =	vperm.xlane v6, v3;
	v21 =	vperm.xlane v31, v2;
	v24 =	vnsel vm11, $0x0, v16;
	v12 =	vld [tilespmem:s28+$0x10]  }
0x78: {  	v35 =	vsel vm3, $0x80000000, v4;
	v16 =	vperm.xlane v31, v3;
	vm11 =	veq.s32 v13, v28;
	v28 =	vld [tilespmem:s29+$0x40];
	(xrf2) =	vadd.scan.msk.f32 $0xffff, v22;
	v22, _, _ =	vpop (xrf2)  }
0x79: {  	v38 =	vperm.xlane v27, v20;
	v37 =	vsel vm11, $0x80000000, v4;
	v36 =	vld [tilespmem:s28+$0xFFFFFFF0];
	v25 =	vperm.xlane v22, v25;
	(xrf0) =	vmax.scan.msk.u32 $0xffff, v35  }
0x7a: {  	s25 =	simm.s32 $0x0;
	vm3 =	veq.s32 v31, v21;
	v21 =	vsel vm2, $0x80000000, v4;
	vm2 =	vne.s32 v6, v34;
	(xrf0) =	vmax.scan.msk.u32 $0xffff, v37  }
0x7b: {  	v29 =	vperm.xlane v15, v29;
	v37 =	vnsel vm9, $0x0, v38;
	v34 =	vld.idx.msk [tilespmem:v14+s25+$0x0], $0xffff;
	v14 =	vsel vm3, $0x80000000, v4;
	v35, _, _ =	vpop (xrf2)  }
0x7c: {  	vm3 =	vgt.u32 v30, $0x80000000;
	v25 =	vnsel vm1, $0x0, v25;
	[tilespmem:v7+s19+$0x0] =	vst.idx.add.f32.msk vm4, v19;
	v19 =	vsub.f32 v27, v37;
	v20, _, _ =	vpop (xrf0)  }
0x7d: {  	v30 =	vperm.xlane v13, v3;
	v22 =	vsub.f32 v22, v25;
	v7 =	vmovc v31;
	v27 =	vld [tilespmem:s28+$0xFFFFFFD0];
	v39 =	vperm.xlane v28, v3  }
0x7e: {  	vm1 =	vmor vm2, vm0;
	v29 =	vnsel vm3, $0x0, v29;
	v31 =	vperm.xlane v28, v2;
	v25 =	vld [tilespmem:s29+$0x10];
	(xrf0) =	vmax.scan.msk.u32 $0xffff, v14;
	v14, _, _ =	vpop (xrf2)  }
0x7f: {  	vm2 =	vne.s32 v13, v30;
	v30 =	vadd.s32 $0x7FFFFFFF, v20;
	v38 =	vld.idx.msk [tilespmem:v12+s25+$0x0], $0xffff;
	vm3 =	vne.s32 v28, v39;
	v37, _, _ =	vpop (xrf0)  }
0x80: {  	vm9 =	vgt.u32 v20, $0x80000000;
	vm12 =	vgt.s32 v30, $0x0;
	vm11 =	veq.s32 v28, v31;
	v12, _, _ =	vpop (xrf0);
	(xrf0) =	vmax.scan.msk.u32 $0xffff, v21  }
0x81: {  	vm4 =	vne.s32 v7, v16;
	v16 =	vsel vm11, $0x80000000, v4;
	v20 =	vadd.s32 $0x7FFFFFFF, v37;
	v31 =	vld [tilespmem:s29+$0xFFFFFFE0]  }
0x82: {  	v15 =	vsub.f32 v15, v29;
	vm11 =	vgt.s32 v20, $0x0;
	v21 =	vld.idx.msk [tilespmem:v36+s25+$0x0], $0xffff;
	v36 =	vadd.s32 $0x7FFFFFFF, v12;
	(xrf2) =	vadd.scan.msk.f32 $0xffff, v34;
	v29, _, _ =	vpop (xrf2)  }
0x83: {  	vm5 =	vmor vm5, vm0;
	v34 =	vld [tilespmem:s29+$0x0];
	v39 =	vperm.xlane v25, v2;
	(xrf0) =	vmax.scan.msk.u32 $0xffff, v16;
	v16 =	vnsel vm12, $0x0, v30  }
0x84: {  	v20 =	vnsel vm11, $0x0, v20;
	vm11 =	vgt.u32 v37, $0x80000000;
	v40 =	vperm.xlane v25, v3;
	v30 =	vld [tilespmem:s28+$0xFFFFFFE0];
	v41, _, _ =	vpop (xrf0)  }
0x85: {  	vm13 =	vne.s32 v17, v26;
	v37 =	vperm.xlane v29, v16;
	vm12 =	veq.s32 v25, v39;
	v33 =	vld.idx.msk [tilespmem:v33+s25+$0x0], $0xffff  }
0x86: {  	v20 =	vperm.xlane v35, v20;
	v26 =	vsel vm12, $0x80000000, v4;
	vm12 =	vgt.s32 v36, $0x0;
	[tilespmem:v8+s19+$0x0] =	vst.idx.add.f32.msk vm10, v19;
	v19, _, _ =	vpop (xrf0)  }
0x87: {  	v8 =	vmovc v28;
	v39 =	vld.idx.msk [tilespmem:v23+s25+$0x0], $0xffff;
	v16 =	vnsel vm12, $0x0, v36;
	v36 =	vadd.s32 $0x7FFFFFFF, v41;
	(xrf0) =	vmax.scan.msk.u32 $0xffff, v26;
	vm10 =	vgt.u32 v19, $0x80000000  }
0x88: {  	v26 =	vperm.xlane v34, v2;
	vm12 =	vgt.s32 v36, $0x0;
	(xrf2) =	vadd.scan.msk.f32 $0xffff, v21;
	v21 =	vnsel vm9, $0x0, v37  }
0x89: {  	vm9 =	vmor vm13, vm0;
	v23 =	vld.idx.msk [tilespmem:v32+s25+$0x0], $0xffff;
	v28 =	vnsel vm12, $0x0, v36;
	v32, _, _ =	vpop (xrf0);
	v29 =	vsub.f32 v29, v21  }
0x8a: {  	vm12 =	veq.s32 v34, v26;
	v21 =	vadd.s32 $0x7FFFFFFF, v32;
	v26 =	vnsel vm11, $0x0, v20;
	[tilespmem:v9+s19+$0x0] =	vst.idx.add.f32.msk vm8, v22;
	v9 =	vmovc v25  }
0x8b: {  	v19 =	vadd.s32 $0x7FFFFFFF, v19;
	v22 =	vld.idx.msk [tilespmem:v27+s25+$0x0], $0xffff;
	v25 =	vsel vm12, $0x80000000, v4;
	vm8 =	vgt.s32 v21, $0x0;
	(xrf2) =	vadd.scan.msk.f32 $0xffff, v38  }
0x8c: {  	vm4 =	vmor vm4, vm0;
	v20 =	vnsel vm8, $0x0, v21;
	v36, _, _ =	vpop (xrf2);
	vm8 =	vgt.s32 v19, $0x0;
	[tilespmem:v11+s19+$0x0] =	vst.idx.add.f32.msk vm5, v15  }
0x8d: {  	v15 =	vperm.xlane v34, v3;
	v21 =	vld [tilespmem:s29+$0xFFFFFFF0];
	v37 =	vperm.xlane v36, v28;
	(xrf0) =	vmax.scan.msk.u32 $0xffff, v25;
	v27, _, _ =	vpop (xrf0);
	v19 =	vnsel vm8, $0x0, v19  }
.Ltmp3:
0x8e: {  	v26 =	vsub.f32 v35, v26;
	vm5 =	vgt.u32 v41, $0x80000000;
	v11 =	vmovc v34;
	v28 =	vld.idx.msk [tilespmem:v30+s25+$0x0], $0xffff;
	v25 =	vadd.s32 $0x7FFFFFFF, v27;
	(xrf2) =	vadd.scan.msk.f32 $0xffff, v33;
	(pc) =	sbr.rel @p0 .LBB2_5-.Ltmp3, $4  }
0x8f: {  	v33 =	vperm.xlane v14, v19;
	vm8 =	vgt.s32 v25, $0x0;
	v30 =	vnsel vm5, $0x0, v37;
	[tilespmem:v10+s19+$0x0] =	vst.idx.add.f32.msk vm7, v29;
	v10 =	vmovc v31  }
0x90: {  	v25 =	vnsel vm8, $0x0, v25;
	v19 =	vsub.f32 v36, v30;
	[tilespmem:v17+s19+$0x0] =	vst.idx.add.f32.msk vm9, v26;
	v26 =	vsub.f32 v18, v24  }
0x91: {  	vm5 =	vne.s32 v11, v15;
	vm9 =	vgt.u32 v32, $0x80000000;
	v17 =	vnsel vm10, $0x0, v33;
	v24 =	vld [tilespmem:s29+$0xFFFFFFD0];
	(xrf2) =	vadd.scan.msk.f32 $0xffff, v39  }
0x92: {  	s28 =	sadd.s32 $0x80, s28;
	vm7 =	vne.s32 v9, v40;
	v18 =	vperm.xlane v10, v2;
	s29 =	sadd.s32 $0x80, s29;
	v15, _, _ =	vpop (xrf2);
	[tilespmem:v5+s19+$0x0] =	vst.idx.add.f32.msk vm6, v26;
	v5 =	vmov v13  }
0x93: {  	(xrf2) =	vadd.scan.msk.f32 $0xffff, v28;
	v13 =	vperm.xlane v10, v3  }
0x94: {  	v26 =	vperm.xlane v21, v2;
	v41 =	vperm.xlane v21, v3;
	vm6 =	veq.s32 v10, v18;
	(xrf2) =	vadd.scan.msk.f32 $0xffff, v23  }
0x95: {  	v39, _, _ =	vpop (xrf0);
	v14 =	vsub.f32 v14, v17;
	vm2 =	vmor vm2, vm0;
	v40 =	vsel vm6, $0x80000000, v4;
	(xrf2) =	vadd.scan.msk.f32 $0xffff, v22  }
0x96: {  	vm5 =	vmor vm5, vm0;
	v42 =	vadd.s32 $0x7FFFFFFF, v39;
	vm15 =	veq.s32 v21, v26;
	(xrf0) =	vmax.scan.msk.u32 $0xffff, v40  }
0x97: {  	vm6 =	vmor vm7, vm0;
	v43 =	vperm.xlane v24, v2;
	v44 =	vsel vm15, $0x80000000, v4  }
0x98: {  	vm8 =	vgt.s32 v42, $0x0;
	vm10 =	vne.s32 v10, v13;
	vm7 =	vmor vm3, vm0;
	(xrf0) =	vmax.scan.msk.u32 $0xffff, v44  }
0x99: {  	v45, _, _ =	vpop (xrf2);
	v17 =	vnsel vm8, $0x0, v42;
	vm3 =	vmor vm10, vm0;
	vm12 =	veq.s32 v24, v43  }
0x9a: {  	v47 =	vperm.xlane v24, v3;
	v16 =	vperm.xlane v45, v16;
	v46, _, _ =	vpop (xrf2);
	v49 =	vsel vm12, $0x80000000, v4  }
0x9b: {  	vm10 =	vgt.u32 v27, $0x80000000;
	v17 =	vperm.xlane v15, v17;
	v20 =	vperm.xlane v46, v20;
	(xrf0) =	vmax.scan.msk.u32 $0xffff, v49;
	v48, _, _ =	vpop (xrf2)  }
0x9c: {  	vm8 =	vgt.u32 v12, $0x80000000;
	vm11 =	vne.s32 v24, v47;
	vm12 =	vgt.u32 v39, $0x80000000;
	v51, _, _ =	vpop (xrf0)  }
0x9d: {  	[tilespmem:v7+s19+$0x0] =	vst.idx.add.f32.msk vm4, v19;
	v17 =	vnsel vm12, $0x0, v17;
	vm12 =	vne.s32 v21, v41;
	v20 =	vnsel vm9, $0x0, v20;
	v52, _, _ =	vpop (xrf2)  }
0x9e: {  	[tilespmem:v6+s19+$0x0] =	vst.idx.add.f32.msk vm1, v14;
	vm9 =	vmor vm11, vm0;
	vm1 =	vmor vm12, vm0;
	v7 =	vsub.f32 v15, v17;
	v54, _, _ =	vpop (xrf0)  }
0x9f: {  	v50 =	vperm.xlane v48, v25;
	v13 =	vsub.f32 v46, v20;
	v53 =	vadd.s32 $0x7FFFFFFF, v51;
	v55, _, _ =	vpop (xrf2)  }
0xa0: {  	vm15 =	vgt.u32 v51, $0x80000000;
	vm13 =	vgt.s32 v53, $0x0;
	v56 =	vadd.s32 $0x7FFFFFFF, v54;
	v29, _, _ =	vpop (xrf2)  }
0xa1: {  	v12 =	vnsel vm10, $0x0, v50;
	vm14 =	vgt.s32 v56, $0x0;
	v18 =	vnsel vm13, $0x0, v53;
	v58, _, _ =	vpop (xrf0)  }
0xa2: {  	v57 =	vnsel vm14, $0x0, v56;
	v6 =	vperm.xlane v29, v18;
	v59 =	vadd.s32 $0x7FFFFFFF, v58  }
0xa3: {  	v12 =	vsub.f32 v48, v12;
	v60 =	vperm.xlane v52, v57;
	vm13 =	vgt.s32 v59, $0x0  }
0xa4: {  	[tilespmem:v11+s19+$0x0] =	vst.idx.add.f32.msk vm5, v7;
	vm14 =	vgt.u32 v54, $0x80000000;
	v6 =	vnsel vm15, $0x0, v6;
	v61 =	vnsel vm13, $0x0, v59  }
0xa5: {  	[tilespmem:v8+s19+$0x0] =	vst.idx.add.f32.msk vm7, v13;
	v6 =	vsub.f32 v29, v6;
	v62 =	vnsel vm14, $0x0, v60;
	v8 =	vperm.xlane v55, v61  }
0xa6: {  	v63 =	vnsel vm8, $0x0, v16;
	[tilespmem:v9+s19+$0x0] =	vst.idx.add.f32.msk vm6, v12;
	vm15 =	vgt.u32 v58, $0x80000000;
	v7 =	vsub.f32 v52, v62  }
0xa7: {  	[tilespmem:v10+s19+$0x0] =	vst.idx.add.f32.msk vm3, v6;
	v6 =	vsub.f32 v45, v63;
	v8 =	vnsel vm15, $0x0, v8  }
0xa8: {  	[tilespmem:v21+s19+$0x0] =	vst.idx.add.f32.msk vm1, v7;
	v7 =	vsub.f32 v55, v8  }
0xa9: {  	[tilespmem:v5+s19+$0x0] =	vst.idx.add.f32.msk vm2, v6  }
0xaa: {  	[tilespmem:v24+s19+$0x0] =	vst.idx.add.f32.msk vm9, v7  }
.LBB2_7:
0xab: {  	s26 =	sshra.s32 s25, $0x2  }
0xac: {  	v5 =	vld [tilespmem:s26+$0x10A00];
	_ =	sdelay $0x4  }
0xad: {  	v6 =	vld [tilespmem:s26+$0x14910];
	_ =	sdelay $0x2  }
0xae: {  	v5 =	vld.idx.msk [tilespmem:v5+s4+$0x0], $0xffff;
	_ =	sdelay $0x1  }
0xaf: {  	v7 =	vperm.xlane v6, v2;
	_ =	sdelay $0x1  }
0xb0: {  	vm1 =	veq.s32 v6, v7  }
0xb1: {  	v7 =	vsel vm1, $0x80000000, v4;
	(xrf2) =	vadd.scan.msk.f32 $0xffff, v5  }
0xb2: {  	(xrf0) =	vmax.scan.msk.u32 $0xffff, v7;
	_ =	sdelay $0x4  }
0xb3: {  	v5 =	vperm.xlane v6, v0  }
0xb4: {  	v7, _, _ =	vpop (xrf0)  }
0xb5: {  	v8 =	vadd.s32 $0x7FFFFFFF, v7  }
0xb6: {  	vm2 =	vne.s32 v6, v5;
	vm1 =	vgt.s32 v8, $0x0  }
0xb7: {  	v8 =	vnsel vm1, $0x0, v8;
	vm1 =	vmor vm2, vm0;
	v5, _, _ =	vpop (xrf2)  }
0xb8: {  	p0 =	sne.s32 s25, $0xC0;
	v8 =	vperm.xlane v5, v8  }
.Ltmp4:
0xb9: {  	vm2 =	vgt.u32 v7, $0x80000000;
	(pc) =	sbr.rel @p0 .LBB2_7-.Ltmp4, $3  }
0xba: {  	v7 =	vnsel vm2, $0x0, v8  }
0xbb: {  	v5 =	vsub.f32 v5, v7;
	_ =	sdelay $0x1  }
0xbc: {  	s25 =	sadd.s32 $0x40, s25;
	[tilespmem:v6+s19+$0x0] =	vst.idx.add.f32.msk vm1, v5  }
0xbd: {  	p0 =	seq.s32 s24, $0x9  }
0xbe: {  	s25 =	smul.u32 @!p0 $0x3E80, s24;
	_ =	sdelay $0x1  }
0xbf: {  	s25 =	sshrl.u32 @!p0 s25, $0x3  }
0xc0: {  	s25 =	sadd.s32 @!p0 $0x7D0, s25  }
0xc1: {  	s28 =	simm.s32 @!p0 $0x0;
	s29 =	simm.s32 @!p0 $0xEB00;
	s26 =	sadd.s32 @!p0 s1, s25  }
0xc2: {  	[tilespmem:s29], [sflag:$0x1] =	stream.linear.gather @!p0 [hbm4b:s26+s28], $0x1F40, $0x38;
	[tilespmem:$0x16900] =	vst v63  }
0xc3: {  	s25 =	sadd.s32 @!p0 s2, s25;
	s26 =	simm.s32 @!p0 $0x12A10  }
0xc4: {  	[tilespmem:s26], [sflag:$0x3] =	stream.linear.gather @!p0 [hbm4b:s25+s28], $0x1F40, $0x38;
	[tilespmem:$0x16900] =	vst v63  }
0xc5: {  	_ =	swait.ge [sflag:s20], $0x1F40  }
0xc6: {  	[sflag:s20] =	ssyncset.done $0x0  }
0xc7: {  	[sflag:s20] =	ssyncadd.s32 $0xFFFFE0C0  }
0xc8: {  	_ =	swait.ge [sflag:s21], $0x1F40  }
0xc9: {  	[sflag:s21] =	ssyncset.done $0x0  }
0xca: {  	s28 =	simm.s32 $0x10AC0;
	[sflag:s21] =	ssyncadd.s32 $0xFFFFE0C0  }
0xcb: {  	s30 =	simm.s32 $0x149C0;
	v5 =	vld [tilespmem:s28+$0x20]  }
0xcc: {  	v13 =	vld [tilespmem:s30+$0x20]  }
0xcd: {  	v9 =	vld [tilespmem:s30+$0x30];
	_ =	sdelay $0x1  }
0xce: {  	v6 =	vld [tilespmem:s28+$0x10]  }
0xcf: {  	v16 =	vld [tilespmem:s30+$0x40]  }
0xd0: {  	v7 =	vld [tilespmem:s28+$0xFFFFFFF0];
	v8 =	vperm.xlane v13, v2  }
0xd1: {  	s25 =	simm.s32 $0x0;
	v15 =	vld [tilespmem:s30+$0x10];
	v10 =	vperm.xlane v9, v2  }
0xd2: {  	vm1 =	veq.s32 v13, v8;
	v5 =	vld.idx.msk [tilespmem:v5+s25+$0x0], $0xffff  }
0xd3: {  	v8 =	vsel vm1, $0x80000000, v4;
	vm1 =	veq.s32 v9, v10;
	v10 =	vld [tilespmem:s28+$0x30]  }
0xd4: {  	v17 =	vld [tilespmem:s30+$0x0]  }
0xd5: {  	v11 =	vld [tilespmem:s28+$0x0]  }
0xd6: {  	(xrf0) =	vmax.scan.msk.u32 $0xffff, v8;
	v8 =	vperm.xlane v16, v2  }
0xd7: {  	v20 =	vld [tilespmem:s28+$0xFFFFFFC0];
	v12 =	vsel vm1, $0x80000000, v4;
	(xrf2) =	vadd.scan.msk.f32 $0xffff, v5;
	v5 =	vperm.xlane v15, v2  }
0xd8: {  	v25 =	vld [tilespmem:s28+$0xFFFFFFD0];
	(xrf0) =	vmax.scan.msk.u32 $0xffff, v12;
	vm1 =	veq.s32 v16, v8  }
0xd9: {  	v18 =	vperm.xlane v17, v2;
	v7 =	vld.idx.msk [tilespmem:v7+s25+$0x0], $0xffff;
	v8 =	vsel vm1, $0x80000000, v4;
	vm1 =	veq.s32 v15, v5  }
0xda: {  	v6 =	vld.idx.msk [tilespmem:v6+s25+$0x0], $0xffff;
	v12 =	vperm.xlane v13, v3;
	(xrf0) =	vmax.scan.msk.u32 $0xffff, v8;
	v5 =	vperm.xlane v9, v3;
	v8 =	vsel vm1, $0x80000000, v4  }
0xdb: {  	v14 =	vperm.xlane v16, v3;
	v10 =	vld.idx.msk [tilespmem:v10+s25+$0x0], $0xffff  }
0xdc: {  	vm3 =	veq.s32 v17, v18;
	(xrf0) =	vmax.scan.msk.u32 $0xffff, v8;
	vm1 =	vne.s32 v9, v5;
	v5 =	vld [tilespmem:s28+$0xFFFFFFE0]  }
0xdd: {  	vm5 =	vne.s32 v16, v14;
	v11 =	vld.idx.msk [tilespmem:v11+s25+$0x0], $0xffff;
	v22 =	vsel vm3, $0x80000000, v4;
	v8, _, _ =	vpop (xrf0)  }
0xde: {  	vm7 =	vmor vm5, vm0;
	vm2 =	vne.s32 v13, v12;
	(xrf2) =	vadd.scan.msk.f32 $0xffff, v7;
	v7 =	vperm.xlane v15, v3;
	v12, _, _ =	vpop (xrf0)  }
0xdf: {  	v18 =	vld [tilespmem:s30+$0xFFFFFFE0];
	(xrf2) =	vadd.scan.msk.f32 $0xffff, v6;
	vm1 =	vmor vm1, vm0;
	v14 =	vadd.s32 $0x7FFFFFFF, v8;
	v19 =	vadd.s32 $0x7FFFFFFF, v12  }
0xe0: {  	vm11 =	vgt.u32 v8, $0x80000000;
	v21, _, _ =	vpop (xrf0);
	vm3 =	vgt.s32 v14, $0x0;
	(xrf0) =	vmax.scan.msk.u32 $0xffff, v22;
	vm4 =	vgt.s32 v19, $0x0  }
0xe1: {  	v25 =	vld.idx.msk [tilespmem:v25+s25+$0x0], $0xffff;
	(xrf2) =	vadd.scan.msk.f32 $0xffff, v10;
	v23 =	vadd.s32 $0x7FFFFFFF, v21;
	v14 =	vnsel vm3, $0x0, v14;
	v6 =	vnsel vm4, $0x0, v19;
	v24, _, _ =	vpop (xrf2)  }
0xe2: {  	(xrf2) =	vadd.scan.msk.f32 $0xffff, v11;
	v11 =	vld.idx.msk [tilespmem:v20+s25+$0x0], $0xffff;
	vm3 =	vgt.s32 v23, $0x0;
	v22, _, _ =	vpop (xrf0);
	vm4 =	vgt.u32 v12, $0x80000000;
	v12 =	vperm.xlane v17, v3  }
0xe3: {  	v19 =	vld [tilespmem:s30+$0xFFFFFFF0];
	v6 =	vperm.xlane v24, v6;
	v26 =	vadd.s32 $0x7FFFFFFF, v22;
	v10 =	vnsel vm3, $0x0, v23  }
0xe4: {  	s31 =	simm.s32 $0x14A40;
	vm3 =	vgt.u32 v21, $0x80000000;
	v21 =	vperm.xlane v18, v3;
	vm9 =	vgt.u32 v22, $0x80000000;
	v20 =	vld.idx.msk [tilespmem:v5+s25+$0x0], $0xffff  }
0xe5: {  	vm6 =	vgt.s32 v26, $0x0;
	vm8 =	vne.s32 v17, v12;
	v5 =	vld [tilespmem:s31+$0x20];
	v6 =	vnsel vm4, $0x0, v6  }
0xe6: {  	s28 =	simm.s32 $0x10B40;
	v12 =	vperm.xlane v18, v2;
	v23 =	vnsel vm6, $0x0, v26;
	v26 =	vsub.f32 v24, v6;
	v6 =	vld [tilespmem:s30+$0xFFFFFFD0]  }
0xe7: {  	v22 =	vld [tilespmem:s28+$0x20];
	vm4 =	vne.s32 v15, v7;
	vm6 =	vne.s32 v18, v21;
	vm8 =	vmor vm8, vm0;
	v28, _, _ =	vpop (xrf0)  }
0xe8: {  	v7 =	vld [tilespmem:s31+$0x30];
	vm4 =	vmor vm4, vm0;
	vm10 =	veq.s32 v18, v12;
	v24 =	vadd.s32 $0x7FFFFFFF, v28  }
0xe9: {  	v27 =	vperm.xlane v19, v3;
	v12 =	vperm.xlane v19, v2;
	vm5 =	vgt.s32 v24, $0x0;
	[tilespmem:v9+s19+$0x0] =	vst.idx.add.f32.msk vm1, v26  }
0xea: {  	v29, _, _ =	vpop (xrf2);
	v9 =	vld [tilespmem:s31+$0x10];
	v21 =	vnsel vm5, $0x0, v24;
	vm5 =	vmor vm6, vm0;
	(xrf2) =	vadd.scan.msk.f32 $0xffff, v20;
	v20 =	vperm.xlane v5, v2  }
0xeb: {  	vm6 =	vmor vm2, vm0;
	v24, _, _ =	vpop (xrf2);
	v21 =	vperm.xlane v29, v21;
	v30 =	vperm.xlane v6, v2  }
0xec: {  	vm13 =	vne.s32 v19, v27;
	(xrf2) =	vadd.scan.msk.f32 $0xffff, v11;
	v14 =	vperm.xlane v24, v14;
	v11, _, _ =	vpop (xrf2);
	v32 =	vperm.xlane v6, v3  }
0xed: {  	v35 =	vld [tilespmem:s28+$0xFFFFFFF0];
	v10 =	vperm.xlane v11, v10;
	vm2 =	veq.s32 v6, v30;
	v30 =	vsel vm10, $0x80000000, v4  }
0xee: {  	v31 =	vld [tilespmem:s28+$0xFFFFFFC0];
	vm10 =	veq.s32 v19, v12;
	v12 =	vperm.xlane v7, v2;
	v33 =	vnsel vm11, $0x0, v14  }
0xef: {  	v8 =	vld [tilespmem:s31+$0x40];
	(xrf2) =	vadd.scan.msk.f32 $0xffff, v25;
	vm11 =	veq.s32 v5, v20;
	v14 =	vperm.xlane v7, v3;
	v40 =	vperm.xlane v9, v3  }
0xf0: {  	v34 =	vld [tilespmem:s28+$0x10];
	(xrf0) =	vmax.scan.msk.u32 $0xffff, v30;
	v20 =	vsel vm10, $0x80000000, v4;
	v25 =	vsel vm11, $0x80000000, v4;
	v10 =	vnsel vm3, $0x0, v10  }
0xf1: {  	vm10 =	veq.s32 v7, v12;
	v26 =	vsub.f32 v11, v10;
	v10 =	vld.idx.msk [tilespmem:v22+s25+$0x0], $0xffff;
	v11 =	vperm.xlane v5, v3;
	v30, _, _ =	vpop (xrf2)  }
0xf2: {  	(xrf0) =	vmax.scan.msk.u32 $0xffff, v20;
	v12 =	vsel vm2, $0x80000000, v4;
	vm2 =	vne.s32 v6, v32;
	v20 =	vld [tilespmem:s28+$0x0];
	v23 =	vperm.xlane v30, v23  }
0xf3: {  	vm3 =	vgt.u32 v28, $0x80000000;
	vm1 =	vmor vm2, vm0;
	vm2 =	vne.s32 v5, v11;
	v11 =	vld [tilespmem:s31+$0x0]  }
0xf4: {  	v58 =	vld [tilespmem:s28+$0x30];
	v22 =	vperm.xlane v8, v3;
	v21 =	vnsel vm3, $0x0, v21;
	v23 =	vnsel vm9, $0x0, v23  }
0xf5: {  	v35 =	vld.idx.msk [tilespmem:v35+s25+$0x0], $0xffff;
	(xrf0) =	vmax.scan.msk.u32 $0xffff, v25;
	v25 =	vsel vm10, $0x80000000, v4;
	v21 =	vsub.f32 v29, v21;
	v29 =	vperm.xlane v9, v2  }
0xf6: {  	[tilespmem:v16+s19+$0x0] =	vst.idx.add.f32.msk vm7, v26;
	v28 =	vsub.f32 v30, v23;
	v30 =	vperm.xlane v8, v2;
	(xrf2) =	vadd.scan.msk.f32 $0xffff, v10  }
0xf7: {  	vm3 =	vne.s32 v8, v22;
	[tilespmem:v17+s19+$0x0] =	vst.idx.add.f32.msk vm8, v21;
	vm9 =	vne.s32 v7, v14;
	v23, _, _ =	vpop (xrf0);
	(xrf0) =	vmax.scan.msk.u32 $0xffff, v25  }
0xf8: {  	v37, _, _ =	vpop (xrf2);
	vm11 =	veq.s32 v8, v30;
	[tilespmem:v15+s19+$0x0] =	vst.idx.add.f32.msk vm4, v28;
	vm4 =	vmor vm9, vm0;
	v17 =	vperm.xlane v11, v3  }
0xf9: {  	v25 =	vld [tilespmem:s28+$0xFFFFFFD0];
	v22 =	vadd.s32 $0x7FFFFFFF, v23;
	v36, _, _ =	vpop (xrf0);
	vm10 =	vgt.u32 v23, $0x80000000;
	v23 =	vsel vm11, $0x80000000, v4  }
0xfa: {  	v14, _, _ =	vpop (xrf2);
	(xrf0) =	vmax.scan.msk.u32 $0xffff, v12;
	v41 =	vld.idx.msk [tilespmem:v20+s25+$0x0], $0xffff;
	v20 =	vperm.xlane v11, v2;
	vm12 =	vgt.s32 v22, $0x0;
	v59 =	vadd.s32 $0x7FFFFFFF, v36  }
0xfb: {  	v60 =	vld [tilespmem:s28+$0xFFFFFFE0];
	v12, _, _ =	vpop (xrf0);
	(xrf0) =	vmax.scan.msk.u32 $0xffff, v23;
	vm11 =	vgt.s32 v59, $0x0;
	v22 =	vnsel vm12, $0x0, v22;
	vm12 =	veq.s32 v9, v29  }
0xfc: {  	v39, _, _ =	vpop (xrf2);
	v30 =	vld.idx.msk [tilespmem:v34+s25+$0x0], $0xffff;
	v38 =	vadd.s32 $0x7FFFFFFF, v12;
	v23 =	vnsel vm11, $0x0, v59;
	v27 =	vsel vm12, $0x80000000, v4  }
0xfd: {  	v32 =	vld.idx.msk [tilespmem:v58+s25+$0x0], $0xffff;
	vm11 =	vgt.u32 v36, $0x80000000;
	v22 =	vperm.xlane v39, v22;
	vm12 =	vgt.s32 v38, $0x0;
	v61, _, _ =	vpop (xrf0);
	(xrf0) =	vmax.scan.msk.u32 $0xffff, v27  }
0xfe: {  	(xrf2) =	vadd.scan.msk.f32 $0xffff, v35;
	v29 =	vperm.xlane v37, v23;
	v16 =	vnsel vm12, $0x0, v38;
	v62 =	vadd.s32 $0x7FFFFFFF, v61  }
0xff: {  	v22 =	vnsel vm10, $0x0, v22;
	vm10 =	vmor vm13, vm0;
	vm12 =	vgt.s32 v62, $0x0  }
0x100: {  	v10 =	vld [tilespmem:s31+$0xFFFFFFE0];
	v26, _, _ =	vpop (xrf0);
	v63 =	vsub.f32 v39, v22;
	v29 =	vnsel vm11, $0x0, v29;
	v27 =	vnsel vm12, $0x0, v62  }
0x101: {  	v23 =	vld.idx.msk [tilespmem:v31+s25+$0x0], $0xffff;
	(xrf2) =	vadd.scan.msk.f32 $0xffff, v30;
	vm8 =	vgt.u32 v61, $0x80000000;
	vm7 =	vgt.u32 v26, $0x80000000;
	v31, _, _ =	vpop (xrf0);
	vm12 =	veq.s32 v11, v20  }
0x102: {  	v22 =	vld.idx.msk [tilespmem:v25+s25+$0x0], $0xffff;
	v25 =	vadd.s32 $0x7FFFFFFF, v26;
	v26, _, _ =	vpop (xrf2);
	v29 =	vsub.f32 v37, v29;
	(xrf2) =	vadd.scan.msk.f32 $0xffff, v32;
	v15 =	vsel vm12, $0x80000000, v4  }
0x103: {  	v21 =	vld [tilespmem:s31+$0xFFFFFFF0];
	v20 =	vadd.s32 $0x7FFFFFFF, v31;
	vm9 =	vgt.s32 v25, $0x0;
	v30 =	vperm.xlane v26, v27;
	v27, _, _ =	vpop (xrf0);
	(xrf0) =	vmax.scan.msk.u32 $0xffff, v15  }
0x104: {  	[tilespmem:v18+s19+$0x0] =	vst.idx.add.f32.msk vm5, v63;
	vm5 =	vne.s32 v11, v17;
	vm11 =	vgt.s32 v20, $0x0;
	v25 =	vnsel vm9, $0x0, v25  }
0x105: {  	v28 =	vld.idx.msk [tilespmem:v60+s25+$0x0], $0xffff;
	v18 =	vperm.xlane v14, v25;
	v30 =	vnsel vm8, $0x0, v30;
	v15 =	vadd.s32 $0x7FFFFFFF, v27  }
0x106: {  	v20 =	vnsel vm11, $0x0, v20;
	[tilespmem:v19+s19+$0x0] =	vst.idx.add.f32.msk vm10, v29;
	v29 =	vsub.f32 v24, v33;
	v19 =	vsub.f32 v26, v30  }
0x107: {  	(xrf2) =	vadd.scan.msk.f32 $0xffff, v41;
	v24 =	vld [tilespmem:s31+$0xFFFFFFD0];
	v17 =	vnsel vm7, $0x0, v18;
	v18 =	vperm.xlane v10, v2;
	vm9 =	vgt.s32 v15, $0x0  }
0x108: {  	s29 =	simm.s32 $0x14AC0;
	s26 =	simm.s32 $0x8;
	s28 =	simm.s32 $0x10BC0;
	vm7 =	vne.s32 v9, v40;
	[tilespmem:v13+s19+$0x0] =	vst.idx.add.f32.msk vm6, v29;
	v25 =	vnsel vm9, $0x0, v15;
	vm9 =	vgt.u32 v31, $0x80000000;
	v15, _, _ =	vpop (xrf2)  }
.LBB2_9:
0x109: {  	v13 =	vld [tilespmem:s29+$0x20];
	s26 =	sadd.s32 $0x8, s26;
	v29 =	vperm.xlane v10, v3;
	v26 =	vperm.xlane v21, v3;
	v30, _, _ =	vpop (xrf0);
	v14 =	vsub.f32 v14, v17  }
0x10a: {  	vm8 =	vmor vm7, vm0;
	vm10 =	vmor vm3, vm0;
	v17 =	vmovc v21;
	v31 =	vld [tilespmem:s29+$0x30];
	p1 =	slt.u32 s26, $0x1E8;
	v32 =	vadd.s32 $0x7FFFFFFF, v30;
	(xrf2) =	vadd.scan.msk.f32 $0xffff, v28  }
0x10b: {  	vm3 =	veq.s32 v10, v18;
	v21 =	vperm.xlane v17, v2;
	vm6 =	vgt.s32 v32, $0x0;
	v18, _, _ =	vpop (xrf2);
	[tilespmem:v6+s19+$0x0] =	vst.idx.add.f32.msk vm1, v14  }
0x10c: {  	vm1 =	vne.s32 v10, v29;
	v14 =	vld [tilespmem:s28+$0x20];
	v28 =	vperm.xlane v24, v2;
	v29 =	vnsel vm6, $0x0, v32;
	v6 =	vmovc v24  }
0x10d: {  	vm7 =	vmor vm1, vm0;
	vm1 =	vgt.u32 v27, $0x80000000;
	vm6 =	vmor vm2, vm0;
	v32 =	vld [tilespmem:s28+$0xFFFFFFC0];
	(xrf2) =	vadd.scan.msk.f32 $0xffff, v23  }
0x10e: {  	v24 =	vsel vm3, $0x80000000, v4;
	v16 =	vperm.xlane v18, v16;
	v23 =	vld [tilespmem:s28+$0x0];
	vm2 =	veq.s32 v6, v28;
	v27, _, _ =	vpop (xrf2)  }
0x10f: {  	vm11 =	vgt.u32 v12, $0x80000000;
	vm3 =	veq.s32 v17, v21;
	v28 =	vperm.xlane v13, v2;
	v33 =	vld [tilespmem:s28+$0x30];
	(xrf0) =	vmax.scan.msk.u32 $0xffff, v24  }
0x110: {  	v34 =	vperm.xlane v6, v3;
	v21 =	vperm.xlane v31, v2;
	v24 =	vnsel vm11, $0x0, v16;
	v12 =	vld [tilespmem:s28+$0x10]  }
0x111: {  	v35 =	vsel vm3, $0x80000000, v4;
	v16 =	vperm.xlane v31, v3;
	vm11 =	veq.s32 v13, v28;
	v28 =	vld [tilespmem:s29+$0x40];
	(xrf2) =	vadd.scan.msk.f32 $0xffff, v22;
	v22, _, _ =	vpop (xrf2)  }
0x112: {  	v38 =	vperm.xlane v27, v20;
	v37 =	vsel vm11, $0x80000000, v4;
	v36 =	vld [tilespmem:s28+$0xFFFFFFF0];
	v25 =	vperm.xlane v22, v25;
	(xrf0) =	vmax.scan.msk.u32 $0xffff, v35  }
0x113: {  	vm3 =	veq.s32 v31, v21;
	v21 =	vsel vm2, $0x80000000, v4;
	vm2 =	vne.s32 v6, v34;
	(xrf0) =	vmax.scan.msk.u32 $0xffff, v37  }
0x114: {  	v29 =	vperm.xlane v15, v29;
	v37 =	vnsel vm9, $0x0, v38;
	v34 =	vld.idx.msk [tilespmem:v14+s25+$0x0], $0xffff;
	v14 =	vsel vm3, $0x80000000, v4;
	v35, _, _ =	vpop (xrf2)  }
0x115: {  	vm3 =	vgt.u32 v30, $0x80000000;
	v25 =	vnsel vm1, $0x0, v25;
	[tilespmem:v7+s19+$0x0] =	vst.idx.add.f32.msk vm4, v19;
	v19 =	vsub.f32 v27, v37;
	v20, _, _ =	vpop (xrf0)  }
0x116: {  	v30 =	vperm.xlane v13, v3;
	v22 =	vsub.f32 v22, v25;
	v7 =	vmovc v31;
	v27 =	vld [tilespmem:s28+$0xFFFFFFD0];
	v39 =	vperm.xlane v28, v3  }
0x117: {  	vm1 =	vmor vm2, vm0;
	v29 =	vnsel vm3, $0x0, v29;
	v31 =	vperm.xlane v28, v2;
	v25 =	vld [tilespmem:s29+$0x10];
	(xrf0) =	vmax.scan.msk.u32 $0xffff, v14;
	v14, _, _ =	vpop (xrf2)  }
0x118: {  	vm2 =	vne.s32 v13, v30;
	v30 =	vadd.s32 $0x7FFFFFFF, v20;
	v38 =	vld.idx.msk [tilespmem:v12+s25+$0x0], $0xffff;
	vm3 =	vne.s32 v28, v39;
	v37, _, _ =	vpop (xrf0)  }
0x119: {  	vm9 =	vgt.u32 v20, $0x80000000;
	vm12 =	vgt.s32 v30, $0x0;
	vm11 =	veq.s32 v28, v31;
	v12, _, _ =	vpop (xrf0);
	(xrf0) =	vmax.scan.msk.u32 $0xffff, v21  }
0x11a: {  	vm4 =	vne.s32 v7, v16;
	v16 =	vsel vm11, $0x80000000, v4;
	v20 =	vadd.s32 $0x7FFFFFFF, v37;
	v31 =	vld [tilespmem:s29+$0xFFFFFFE0]  }
0x11b: {  	v15 =	vsub.f32 v15, v29;
	vm11 =	vgt.s32 v20, $0x0;
	v21 =	vld.idx.msk [tilespmem:v36+s25+$0x0], $0xffff;
	v36 =	vadd.s32 $0x7FFFFFFF, v12;
	(xrf2) =	vadd.scan.msk.f32 $0xffff, v34;
	v29, _, _ =	vpop (xrf2)  }
0x11c: {  	vm5 =	vmor vm5, vm0;
	v34 =	vld [tilespmem:s29+$0x0];
	v39 =	vperm.xlane v25, v2;
	(xrf0) =	vmax.scan.msk.u32 $0xffff, v16;
	v16 =	vnsel vm12, $0x0, v30  }
0x11d: {  	v20 =	vnsel vm11, $0x0, v20;
	vm11 =	vgt.u32 v37, $0x80000000;
	v40 =	vperm.xlane v25, v3;
	v30 =	vld [tilespmem:s28+$0xFFFFFFE0];
	v41, _, _ =	vpop (xrf0)  }
0x11e: {  	vm13 =	vne.s32 v17, v26;
	v37 =	vperm.xlane v29, v16;
	vm12 =	veq.s32 v25, v39;
	v33 =	vld.idx.msk [tilespmem:v33+s25+$0x0], $0xffff  }
0x11f: {  	v20 =	vperm.xlane v35, v20;
	v26 =	vsel vm12, $0x80000000, v4;
	vm12 =	vgt.s32 v36, $0x0;
	[tilespmem:v8+s19+$0x0] =	vst.idx.add.f32.msk vm10, v19;
	v19, _, _ =	vpop (xrf0)  }
0x120: {  	v8 =	vmovc v28;
	v39 =	vld.idx.msk [tilespmem:v23+s25+$0x0], $0xffff;
	v16 =	vnsel vm12, $0x0, v36;
	v36 =	vadd.s32 $0x7FFFFFFF, v41;
	(xrf0) =	vmax.scan.msk.u32 $0xffff, v26;
	vm10 =	vgt.u32 v19, $0x80000000  }
0x121: {  	v26 =	vperm.xlane v34, v2;
	vm12 =	vgt.s32 v36, $0x0;
	(xrf2) =	vadd.scan.msk.f32 $0xffff, v21;
	v21 =	vnsel vm9, $0x0, v37  }
0x122: {  	vm9 =	vmor vm13, vm0;
	v23 =	vld.idx.msk [tilespmem:v32+s25+$0x0], $0xffff;
	v28 =	vnsel vm12, $0x0, v36;
	v32, _, _ =	vpop (xrf0);
	v29 =	vsub.f32 v29, v21  }
0x123: {  	vm12 =	veq.s32 v34, v26;
	v21 =	vadd.s32 $0x7FFFFFFF, v32;
	v26 =	vnsel vm11, $0x0, v20;
	[tilespmem:v9+s19+$0x0] =	vst.idx.add.f32.msk vm8, v22;
	v9 =	vmovc v25  }
0x124: {  	v19 =	vadd.s32 $0x7FFFFFFF, v19;
	v22 =	vld.idx.msk [tilespmem:v27+s25+$0x0], $0xffff;
	v25 =	vsel vm12, $0x80000000, v4;
	vm8 =	vgt.s32 v21, $0x0;
	(xrf2) =	vadd.scan.msk.f32 $0xffff, v38  }
0x125: {  	vm4 =	vmor vm4, vm0;
	v20 =	vnsel vm8, $0x0, v21;
	v36, _, _ =	vpop (xrf2);
	vm8 =	vgt.s32 v19, $0x0;
	[tilespmem:v11+s19+$0x0] =	vst.idx.add.f32.msk vm5, v15  }
0x126: {  	v15 =	vperm.xlane v34, v3;
	v21 =	vld [tilespmem:s29+$0xFFFFFFF0];
	v37 =	vperm.xlane v36, v28;
	(xrf0) =	vmax.scan.msk.u32 $0xffff, v25;
	v27, _, _ =	vpop (xrf0);
	v19 =	vnsel vm8, $0x0, v19  }
.Ltmp5:
0x127: {  	v26 =	vsub.f32 v35, v26;
	vm5 =	vgt.u32 v41, $0x80000000;
	v11 =	vmovc v34;
	v28 =	vld.idx.msk [tilespmem:v30+s25+$0x0], $0xffff;
	v25 =	vadd.s32 $0x7FFFFFFF, v27;
	(xrf2) =	vadd.scan.msk.f32 $0xffff, v33;
	(pc) =	sbr.rel @p1 .LBB2_9-.Ltmp5, $4  }
0x128: {  	v33 =	vperm.xlane v14, v19;
	vm8 =	vgt.s32 v25, $0x0;
	v30 =	vnsel vm5, $0x0, v37;
	[tilespmem:v10+s19+$0x0] =	vst.idx.add.f32.msk vm7, v29;
	v10 =	vmovc v31  }
0x129: {  	v25 =	vnsel vm8, $0x0, v25;
	v19 =	vsub.f32 v36, v30;
	[tilespmem:v17+s19+$0x0] =	vst.idx.add.f32.msk vm9, v26;
	v26 =	vsub.f32 v18, v24  }
0x12a: {  	vm5 =	vne.s32 v11, v15;
	vm9 =	vgt.u32 v32, $0x80000000;
	v17 =	vnsel vm10, $0x0, v33;
	v24 =	vld [tilespmem:s29+$0xFFFFFFD0];
	(xrf2) =	vadd.scan.msk.f32 $0xffff, v39  }
0x12b: {  	s28 =	sadd.s32 $0x80, s28;
	vm7 =	vne.s32 v9, v40;
	v18 =	vperm.xlane v10, v2;
	s29 =	sadd.s32 $0x80, s29;
	v15, _, _ =	vpop (xrf2);
	[tilespmem:v5+s19+$0x0] =	vst.idx.add.f32.msk vm6, v26;
	v5 =	vmov v13  }
0x12c: {  	(xrf2) =	vadd.scan.msk.f32 $0xffff, v28;
	v13 =	vperm.xlane v10, v3  }
0x12d: {  	v26 =	vperm.xlane v21, v2;
	v41 =	vperm.xlane v21, v3;
	vm6 =	veq.s32 v10, v18;
	(xrf2) =	vadd.scan.msk.f32 $0xffff, v23  }
0x12e: {  	v39, _, _ =	vpop (xrf0);
	v14 =	vsub.f32 v14, v17;
	vm2 =	vmor vm2, vm0;
	v40 =	vsel vm6, $0x80000000, v4;
	(xrf2) =	vadd.scan.msk.f32 $0xffff, v22  }
0x12f: {  	vm5 =	vmor vm5, vm0;
	v42 =	vadd.s32 $0x7FFFFFFF, v39;
	vm15 =	veq.s32 v21, v26;
	(xrf0) =	vmax.scan.msk.u32 $0xffff, v40  }
0x130: {  	vm6 =	vmor vm7, vm0;
	v43 =	vperm.xlane v24, v2;
	v44 =	vsel vm15, $0x80000000, v4  }
0x131: {  	vm8 =	vgt.s32 v42, $0x0;
	vm10 =	vne.s32 v10, v13;
	vm7 =	vmor vm3, vm0;
	(xrf0) =	vmax.scan.msk.u32 $0xffff, v44  }
0x132: {  	v45, _, _ =	vpop (xrf2);
	v17 =	vnsel vm8, $0x0, v42;
	vm3 =	vmor vm10, vm0;
	vm12 =	veq.s32 v24, v43  }
0x133: {  	v47 =	vperm.xlane v24, v3;
	v16 =	vperm.xlane v45, v16;
	v46, _, _ =	vpop (xrf2);
	v49 =	vsel vm12, $0x80000000, v4  }
0x134: {  	vm10 =	vgt.u32 v27, $0x80000000;
	v17 =	vperm.xlane v15, v17;
	v20 =	vperm.xlane v46, v20;
	(xrf0) =	vmax.scan.msk.u32 $0xffff, v49;
	v48, _, _ =	vpop (xrf2)  }
0x135: {  	vm8 =	vgt.u32 v12, $0x80000000;
	vm11 =	vne.s32 v24, v47;
	vm12 =	vgt.u32 v39, $0x80000000;
	v51, _, _ =	vpop (xrf0)  }
0x136: {  	[tilespmem:v7+s19+$0x0] =	vst.idx.add.f32.msk vm4, v19;
	v17 =	vnsel vm12, $0x0, v17;
	vm12 =	vne.s32 v21, v41;
	v20 =	vnsel vm9, $0x0, v20;
	v52, _, _ =	vpop (xrf2)  }
0x137: {  	[tilespmem:v6+s19+$0x0] =	vst.idx.add.f32.msk vm1, v14;
	vm9 =	vmor vm11, vm0;
	vm1 =	vmor vm12, vm0;
	v7 =	vsub.f32 v15, v17;
	v54, _, _ =	vpop (xrf0)  }
0x138: {  	v50 =	vperm.xlane v48, v25;
	v13 =	vsub.f32 v46, v20;
	v53 =	vadd.s32 $0x7FFFFFFF, v51;
	v55, _, _ =	vpop (xrf2)  }
0x139: {  	vm15 =	vgt.u32 v51, $0x80000000;
	vm13 =	vgt.s32 v53, $0x0;
	v56 =	vadd.s32 $0x7FFFFFFF, v54;
	v29, _, _ =	vpop (xrf2)  }
0x13a: {  	v12 =	vnsel vm10, $0x0, v50;
	vm14 =	vgt.s32 v56, $0x0;
	v18 =	vnsel vm13, $0x0, v53;
	v58, _, _ =	vpop (xrf0)  }
0x13b: {  	v57 =	vnsel vm14, $0x0, v56;
	v6 =	vperm.xlane v29, v18;
	v59 =	vadd.s32 $0x7FFFFFFF, v58  }
0x13c: {  	v12 =	vsub.f32 v48, v12;
	v60 =	vperm.xlane v52, v57;
	vm13 =	vgt.s32 v59, $0x0  }
0x13d: {  	[tilespmem:v11+s19+$0x0] =	vst.idx.add.f32.msk vm5, v7;
	vm14 =	vgt.u32 v54, $0x80000000;
	v6 =	vnsel vm15, $0x0, v6;
	v61 =	vnsel vm13, $0x0, v59  }
0x13e: {  	[tilespmem:v8+s19+$0x0] =	vst.idx.add.f32.msk vm7, v13;
	v6 =	vsub.f32 v29, v6;
	v62 =	vnsel vm14, $0x0, v60;
	v8 =	vperm.xlane v55, v61  }
0x13f: {  	v63 =	vnsel vm8, $0x0, v16;
	[tilespmem:v9+s19+$0x0] =	vst.idx.add.f32.msk vm6, v12;
	vm15 =	vgt.u32 v58, $0x80000000;
	v7 =	vsub.f32 v52, v62  }
0x140: {  	[tilespmem:v10+s19+$0x0] =	vst.idx.add.f32.msk vm3, v6;
	v6 =	vsub.f32 v45, v63;
	v8 =	vnsel vm15, $0x0, v8  }
0x141: {  	[tilespmem:v21+s19+$0x0] =	vst.idx.add.f32.msk vm1, v7;
	v7 =	vsub.f32 v55, v8  }
0x142: {  	[tilespmem:v5+s19+$0x0] =	vst.idx.add.f32.msk vm2, v6  }
0x143: {  	[tilespmem:v24+s19+$0x0] =	vst.idx.add.f32.msk vm9, v7  }
.LBB2_11:
0x144: {  	s26 =	sshra.s32 s25, $0x2  }
0x145: {  	v5 =	vld [tilespmem:s26+$0x12980];
	_ =	sdelay $0x4  }
0x146: {  	v6 =	vld [tilespmem:s26+$0x16890];
	_ =	sdelay $0x2  }
0x147: {  	v5 =	vld.idx.msk [tilespmem:v5+s4+$0x0], $0xffff;
	_ =	sdelay $0x1  }
0x148: {  	v7 =	vperm.xlane v6, v2;
	_ =	sdelay $0x1  }
0x149: {  	vm1 =	veq.s32 v6, v7  }
0x14a: {  	v7 =	vsel vm1, $0x80000000, v4;
	(xrf2) =	vadd.scan.msk.f32 $0xffff, v5  }
0x14b: {  	(xrf0) =	vmax.scan.msk.u32 $0xffff, v7;
	_ =	sdelay $0x4  }
0x14c: {  	v5 =	vperm.xlane v6, v0  }
0x14d: {  	v7, _, _ =	vpop (xrf0)  }
0x14e: {  	v8 =	vadd.s32 $0x7FFFFFFF, v7  }
0x14f: {  	vm2 =	vne.s32 v6, v5;
	vm1 =	vgt.s32 v8, $0x0  }
0x150: {  	v8 =	vnsel vm1, $0x0, v8;
	vm1 =	vmor vm2, vm0;
	v5, _, _ =	vpop (xrf2)  }
0x151: {  	p1 =	sne.s32 s25, $0xC0;
	v8 =	vperm.xlane v5, v8  }
.Ltmp6:
0x152: {  	vm2 =	vgt.u32 v7, $0x80000000;
	(pc) =	sbr.rel @p1 .LBB2_11-.Ltmp6, $3  }
0x153: {  	v7 =	vnsel vm2, $0x0, v8  }
0x154: {  	v5 =	vsub.f32 v5, v7;
	_ =	sdelay $0x1  }
0x155: {  	s25 =	sadd.s32 $0x40, s25;
	[tilespmem:v6+s19+$0x0] =	vst.idx.add.f32.msk vm1, v5  }
.Ltmp7:
0x156: {  	(pc) =	sbr.rel @p0 .LBB2_14-.Ltmp7, $1  }
0x157: {  	_ =	sdelay $0x3  }
0x158: {  	s25 =	smul.u32 $0x3E80, s24;
	_ =	sdelay $0x1  }
0x159: {  	s25 =	sshrl.u32 s25, $0x3  }
.Ltmp8:
0x15a: {  	s25 =	sadd.s32 $0xBB8, s25;
	(pc) =	sbr.rel .LBB2_4-.Ltmp8, $4  }
0x15b: {  	s26 =	sadd.s32 s1, s25  }
0x15c: {  	[tilespmem:s12], [sflag:$0x2] =	stream.linear.gather [hbm4b:s26+s4], $0x1F40, $0x38;
	[tilespmem:$0x16900] =	vst v63  }
0x15d: {  	s24 =	sadd.s32 $0x1, s24;
	s25 =	sadd.s32 s2, s25  }
0x15e: {  	[tilespmem:s13], [sflag:$0x4] =	stream.linear.gather [hbm4b:s25+s4], $0x1F40, $0x38;
	[tilespmem:$0x16900] =	vst v63  }
.LBB2_15:
0x15f: {  	_ =	sfence.sel $0x180000  }
0x160: {  	[bflag:$0x0] =	sbarrier.arrive $0xFFFF  }
0x161: {  	p0 =	sne.s32 s3, $0x0;
	_ =	strace $0x90000047  }
0x162: {  	s0 =	sadd.s32 @!p0 $0x100000, s0;
	[bflag:$0x2] =	sbarrier.arrive $0xFFFF  }
0x163: {  	[sflag:s0] =	ssyncadd.tile.s32 @!p0 $0x1;
	_ =	shalt  }
.Lfunc_end2:
_tile_overlayer_lowered:
.L_overlay_start_2:
0x164: {  	(tag) =	ssettag $0x2  }
0x165: {  	s0 =	rddreg [dreg:$0x0];
	s2 =	stileid.u32  }
0x166: {  	s1 =	rddreg [dreg:$0x1];
	p0 =	sne.s32 s2, $0x0  }
0x167: {  	s3 =	rddreg [dreg:$0x2];
	[bflag:$0x3] =	sbarrier.arrive $0xFFFF;
	s2 =	simm.s32 @!p0 $0x1C05  }
0x168: {  	[timem:s3], [sflag:s2] =	dma.local @!p0 [hbm:s0], s1  }
0x169: {  	s0 =	simm.s32 @!p0 $0x5  }
0x16a: {  	_ =	swait.ge @!p0 [sflag:s0], s1  }
0x16b: {  	s1 =	ssub.s32 @!p0 $0x0, s1;
	[sflag:s0] =	ssyncset.done @!p0 $0x0  }
0x16c: {  	[sflag:s0] =	ssyncadd.s32 @!p0 s1  }
0x16d: {  	[bflag:$0x3] =	sbarrier.arrive $0xFFFF  }
0x16e: {  	_ =	shalt  }

</sc_bundles>
